<compile_context>
chip_gen: v7x
topology: tpu7x:2x2x1
jax: 0.10.2.dev20260603
libtpu: 0.0.44.dev20260713+nightly
codegen_flags: <defaults>
</compile_context>

<pallas_src>
import functools

import jax
import jax.numpy as jnp
from jax import lax
from jax.experimental import pallas as pl
from jax.experimental.pallas import tpu as pltpu
from jax.experimental.pallas import tpu_sc as plsc

N_NODES = 10000
N_EDGES = 160000
D = 128
B = 2048

NC = 2
NS = 16
L = 16

EPT = N_EDGES // NS
NVCH = EPT // L
ROWS_P = 512
NPH = B // (ROWS_P * NC)
SEG = ROWS_P * B // NS
ZCH = 2048
TRAIL = 8
JUNK_G = B * B
JUNK_L = ROWS_P * B


def _sc_build(src_hbm, dst_hbm, lmap_hbm, bpgi_hbm, x_hbm,
              a_hbm, xsub_hbm,
              lmap_v, src_v, dst_v, fidx_v, cidx_v,
              ones_v, zero_v, bidx_v, rows_v, a_sp, sem, sem2, sem3):
  c = lax.axis_index("c")
  s = lax.axis_index("s")
  wid = c * NS + s

  rpw = B // (NC * NS)
  pltpu.sync_copy(bpgi_hbm.at[pl.ds(wid * rpw, rpw)], bidx_v)
  pltpu.async_copy(x_hbm.at[bidx_v], rows_v, sem).wait()
  pltpu.sync_copy(rows_v, xsub_hbm.at[pl.ds(wid * rpw, rpw)])

  pltpu.sync_copy(lmap_hbm, lmap_v)
  base = s * EPT
  pltpu.sync_copy(src_hbm.at[pl.ds(base, EPT)], src_v)
  pltpu.sync_copy(dst_hbm.at[pl.ds(base, EPT)], dst_v)

  ones_v[...] = jnp.ones((L,), jnp.float32)
  def _zb(i, _):
    zero_v[pl.ds(i * L, L)] = jnp.zeros((L,), jnp.float32)
    return 0
  lax.fori_loop(0, ZCH // L, _zb, 0)

  def _cb(j, nv):
    for u in range(2):
      off = pl.ds((j * 2 + u) * L, L)
      sloc = plsc.load_gather(lmap_v, [src_v[off]])
      dloc = plsc.load_gather(lmap_v, [dst_v[off]])
      valid = (sloc >= 0) & (dloc >= 0)
      flat = dloc * B + sloc
      plsc.store_compressed(fidx_v.at[pl.ds(nv, L)], flat, mask=valid)
      nv = nv + jnp.sum(valid.astype(jnp.int32))
    return nv
  nv = lax.fori_loop(0, NVCH // 2, _cb, jnp.int32(0))
  if NVCH % 2:
    off = pl.ds((NVCH - 1) * L, L)
    sloc = plsc.load_gather(lmap_v, [src_v[off]])
    dloc = plsc.load_gather(lmap_v, [dst_v[off]])
    valid = (sloc >= 0) & (dloc >= 0)
    plsc.store_compressed(fidx_v.at[pl.ds(nv, L)], dloc * B + sloc, mask=valid)
    nv = nv + jnp.sum(valid.astype(jnp.int32))
  fidx_v[pl.ds(nv, L)] = jnp.full((L,), JUNK_G, jnp.int32)
  nvch = (nv + (L - 1)) // L

  flush_cp = None
  for p in range(NPH):
    blk = p * NC + c
    lo = blk * (ROWS_P * B)

    if flush_cp is not None:
      flush_cp.wait()

    zero_cp = pltpu.async_copy(zero_v, a_sp.at[pl.ds(s * SEG, ZCH)], sem)
    def _zs(i, _):
      pltpu.async_copy(zero_v, a_sp.at[pl.ds(s * SEG + i * ZCH, ZCH)], sem)
      return 0
    lax.fori_loop(1, SEG // ZCH, _zs, 0)

    def _wb(i, co):
      f = fidx_v[pl.ds(i * L, L)]
      inr = (f >= lo) & (f < lo + ROWS_P * B)
      plsc.store_compressed(cidx_v.at[pl.ds(co, L)], f - lo, mask=inr)
      return co + jnp.sum(inr.astype(jnp.int32))
    co = lax.fori_loop(0, nvch, _wb, jnp.int32(0))
    junk = jnp.full((L,), JUNK_L, jnp.int32)
    for t in range(TRAIL + 1):
      cidx_v[pl.ds(co + t * L, L)] = junk

    def _zw(i, _):
      zero_cp.wait()
      return 0
    lax.fori_loop(0, SEG // ZCH, _zw, 0)
    plsc.subcore_barrier()

    ns = (co + (L - 1)) // L + TRAIL
    def _sb(g, _):
      idx = cidx_v[pl.ds(g * L, L)]
      pltpu.sync_copy(ones_v, a_sp.at[idx], add=True)
      return 0
    lax.fori_loop(0, ns, _sb, 0)
    plsc.subcore_barrier()

    flush_cp = pltpu.async_copy(a_sp.at[pl.ds(s * SEG, SEG)],
                                a_hbm.at[pl.ds(lo + s * SEG, SEG)], sem3)
  flush_cp.wait()


BLK = 512
GRID = B // BLK


def _tc_body(a_ref, xs_ref, w1_ref, b1_ref, w2_ref, b2_ref, wmu_ref, bmu_ref,
             wlv_ref, blv_ref, wat_ref, bat_ref, wp1_ref, bp1_ref, wp2_ref,
             bp2_ref,
             adj_ref, mu_ref, lv_ref, rx_ref, mp_ref, gram_ref,
             h1_scr, mu_scr):
  i = pl.program_id(0)

  @pl.when(i < GRID)
  def _layer1():
    a = a_ref[...]
    deg = jnp.maximum(jnp.sum(a, axis=1, keepdims=True), 1.0)
    ax = jnp.dot(a, xs_ref[...], preferred_element_type=jnp.float32)
    pre = jnp.dot(ax, w1_ref[...], preferred_element_type=jnp.float32)
    h1_scr[pl.ds(i * BLK, BLK), :] = jnp.maximum(pre / deg + b1_ref[...], 0.0)
    adj_ref[...] = jnp.minimum(a, 1.0)

  @pl.when((i >= GRID) & (i < 2 * GRID))
  def _layer2_heads():
    a = a_ref[...]
    deg = jnp.maximum(jnp.sum(a, axis=1, keepdims=True), 1.0)
    ah = jnp.dot(a, h1_scr[...], preferred_element_type=jnp.float32)
    pre = jnp.dot(ah, w2_ref[...], preferred_element_type=jnp.float32)
    h2 = jnp.maximum(pre / deg + b2_ref[...], 0.0)
    mu = jnp.dot(h2, wmu_ref[...], preferred_element_type=jnp.float32) + bmu_ref[...]
    mu_scr[pl.ds((i - GRID) * BLK, BLK), :] = mu
    mu_ref[...] = mu
    lv_ref[...] = jnp.dot(h2, wlv_ref[...], preferred_element_type=jnp.float32) + blv_ref[...]
    rx_ref[...] = jnp.dot(mu, wat_ref[...], preferred_element_type=jnp.float32) + bat_ref[...]
    p1 = jnp.maximum(
        jnp.dot(mu, wp1_ref[...], preferred_element_type=jnp.float32) + bp1_ref[...], 0.0)
    mp_ref[...] = jnp.dot(p1, wp2_ref[...], preferred_element_type=jnp.float32) + bp2_ref[...]

  @pl.when(i >= 2 * GRID)
  def _gram():
    mu_blk = mu_scr[pl.ds((i - 2 * GRID) * BLK, BLK), :]
    gram_ref[...] = lax.dot_general(
        mu_blk, mu_scr[...], (((1,), (1,)), ((), ())),
        preferred_element_type=jnp.float32)


def _full(shape):
  return pl.BlockSpec(shape, lambda i: (0,) * len(shape))


def kernel(x, edge_index, batch_patient_global_indices,
           W_gnn1, b_gnn1, W_gnn2, b_gnn2,
           W_mu, b_mu, W_lv, b_lv,
           W_attr, b_attr, W_p1, b_p1, W_p2, b_p2):
  src = edge_index[0].astype(jnp.int32)
  dst = edge_index[1].astype(jnp.int32)
  bpgi = batch_patient_global_indices.astype(jnp.int32)

  lmap = jnp.full((N_NODES,), -1, jnp.int32)
  lmap = lmap.at[bpgi].set(jnp.arange(B, dtype=jnp.int32))

  mesh = plsc.VectorSubcoreMesh(core_axis_name="c", subcore_axis_name="s")
  sc_fn = functools.partial(
      pl.kernel,
      out_type=(jax.ShapeDtypeStruct((B * B,), jnp.float32),
                jax.ShapeDtypeStruct((B, D), jnp.float32)),
      mesh=mesh,
      scratch_types=[
          pltpu.VMEM((N_NODES,), jnp.int32),
          pltpu.VMEM((EPT,), jnp.int32),
          pltpu.VMEM((EPT,), jnp.int32),
          pltpu.VMEM((EPT + L,), jnp.int32),
          pltpu.VMEM((EPT + (TRAIL + 2) * L,), jnp.int32),
          pltpu.VMEM((L,), jnp.float32),
          pltpu.VMEM((ZCH,), jnp.float32),
          pltpu.VMEM((B // (NC * NS),), jnp.int32),
          pltpu.VMEM((B // (NC * NS), D), jnp.float32),
          pltpu.VMEM_SHARED((ROWS_P * B + 8,), jnp.float32),
          pltpu.SemaphoreType.DMA,
          pltpu.SemaphoreType.DMA,
          pltpu.SemaphoreType.DMA,
      ],
      compiler_params=pltpu.CompilerParams(needs_layout_passes=False),
      name="gvae_sc_build",
  )(_sc_build)
  a_flat, x_sub = sc_fn(src, dst, lmap, bpgi, x)
  a = a_flat.reshape(B, B)

  b1 = b_gnn1.reshape(1, D)
  b2 = b_gnn2.reshape(1, D)
  bmu = b_mu.reshape(1, D)
  blv = b_lv.reshape(1, D)
  bat = b_attr.reshape(1, D)
  bp1 = b_p1.reshape(1, D)
  bp2 = b_p2.reshape(1, D)

  a_spec = pl.BlockSpec((BLK, B),
                        lambda i: (jnp.where(i < 2 * GRID, i % GRID, GRID - 1), 0))
  adj_spec = pl.BlockSpec((BLK, B), lambda i: (jnp.minimum(i, GRID - 1), 0))
  head_spec = pl.BlockSpec((BLK, D),
                           lambda i: (jnp.clip(i - GRID, 0, GRID - 1), 0))
  gram_spec = pl.BlockSpec((BLK, B),
                           lambda i: (jnp.clip(i - 2 * GRID, 0, GRID - 1), 0))

  orig_adj, mu, logvar, rec_x, mu_proj, rec_adj_logits = pl.pallas_call(
      _tc_body,
      grid=(3 * GRID,),
      in_specs=[a_spec, _full((B, D)), _full((D, D)), _full((1, D)),
                _full((D, D)), _full((1, D)), _full((D, D)), _full((1, D)),
                _full((D, D)), _full((1, D)), _full((D, D)), _full((1, D)),
                _full((D, D)), _full((1, D)), _full((D, D)), _full((1, D))],
      out_specs=[adj_spec, head_spec, head_spec, head_spec, head_spec,
                 gram_spec],
      out_shape=[jax.ShapeDtypeStruct((B, B), jnp.float32)] +
                [jax.ShapeDtypeStruct((B, D), jnp.float32)] * 4 +
                [jax.ShapeDtypeStruct((B, B), jnp.float32)],
      scratch_shapes=[pltpu.VMEM((B, D), jnp.float32),
                      pltpu.VMEM((B, D), jnp.float32)],
      name="gvae_tc_dense",
  )(a, x_sub, W_gnn1, b1, W_gnn2, b2, W_mu, bmu, W_lv, blv,
    W_attr, bat, W_p1, bp1, W_p2, bp2)

  return mu, logvar, rec_adj_logits, rec_x, mu_proj, orig_adj

# --- scband reference (transcript-rebuilt; emitter-appended) ---
"""Pipeline reference for scband-gvae-68255620268297 (READ-ONLY COPY).

The authoritative reference and input builder live on the scoring server;
editing this copy changes nothing except your own understanding.
"""

import jax, jax.numpy as jnp
import numpy as np

N_NODES = 10000
N_EDGES = 160000
D = 128
B = 2048

def setup_inputs(seed: int = 0) -> dict:
    key = jax.random.key(seed)
    ks = jax.random.split(key, 20)
    x = jax.random.normal(ks[0], (N_NODES, D), dtype=jnp.float32)
    edge_index = jax.random.randint(ks[1], (2, N_EDGES), 0, N_NODES, dtype=jnp.int64)
    batch_patient_global_indices = jnp.sort(jax.random.randint(ks[2], (B,), 0, N_NODES, dtype=jnp.int64))
    s = 1.0 / np.sqrt(D)
    inp = {
        'x': x,
        'edge_index': edge_index,
        'batch_patient_global_indices': batch_patient_global_indices,
        'W_gnn1': jax.random.normal(ks[3], (D, D), dtype=jnp.float32) * s,
        'b_gnn1': jnp.zeros((D,), dtype=jnp.float32),
        'W_gnn2': jax.random.normal(ks[4], (D, D), dtype=jnp.float32) * s,
        'b_gnn2': jnp.zeros((D,), dtype=jnp.float32),
        'W_mu': jax.random.normal(ks[5], (D, D), dtype=jnp.float32) * s,
        'b_mu': jnp.zeros((D,), dtype=jnp.float32),
        'W_lv': jax.random.normal(ks[6], (D, D), dtype=jnp.float32) * s,
        'b_lv': jnp.zeros((D,), dtype=jnp.float32),
        'W_attr': jax.random.normal(ks[7], (D, D), dtype=jnp.float32) * s,
        'b_attr': jnp.zeros((D,), dtype=jnp.float32),
        'W_p1': jax.random.normal(ks[8], (D, D), dtype=jnp.float32) * s,
        'b_p1': jnp.zeros((D,), dtype=jnp.float32),
        'W_p2': jax.random.normal(ks[9], (D, D), dtype=jnp.float32) * s,
        'b_p2': jnp.zeros((D,), dtype=jnp.float32),
    }
    return inp

def reference(x, edge_index, batch_patient_global_indices,
              W_gnn1, b_gnn1, W_gnn2, b_gnn2,
              W_mu, b_mu, W_lv, b_lv,
              W_attr, b_attr, W_p1, b_p1, W_p2, b_p2):
    N = x.shape[0]
    Bn = batch_patient_global_indices.shape[0]
    # get_view_subgraph_and_features: map global -> local indices for the batch
    local_map = jnp.full((N,), -1, dtype=jnp.int32)
    local_map = local_map.at[batch_patient_global_indices].set(jnp.arange(Bn, dtype=jnp.int32))
    src = edge_index[0]
    dst = edge_index[1]
    src_l = local_map[src]
    dst_l = local_map[dst]
    valid = (src_l >= 0) & (dst_l >= 0)
    src_l = jnp.where(valid, src_l, 0)
    dst_l = jnp.where(valid, dst_l, 0)
    w = valid.astype(jnp.float32)
    x_sub = x[batch_patient_global_indices]  # gather patient features for batch

    def gnn_layer(h, W, b):
        m = (h[src_l] @ W) * w[:, None]          # gather + transform messages
        agg = jax.ops.segment_sum(m, dst_l, num_segments=Bn)  # scatter-add
        deg = jax.ops.segment_sum(w, dst_l, num_segments=Bn)
        agg = agg / jnp.clip(deg, 1.0)[:, None]
        return jax.nn.relu(agg + b)

    # ViewEncoder: 2 GNN layers then mu / logvar heads
    h = gnn_layer(x_sub, W_gnn1, b_gnn1)
    h = gnn_layer(h, W_gnn2, b_gnn2)
    mu = h @ W_mu + b_mu
    logvar = h @ W_lv + b_lv
    # reparameterize in eval mode returns mu
    z = mu
    # StructureDecoder: inner-product adjacency logits
    rec_adj_logits = z @ z.T
    # AttributeDecoder: linear d_embed -> in_channels
    rec_x = z @ W_attr + b_attr
    # ProjectionHead on mu (for contrastive loss)
    mu_proj = jax.nn.relu(mu @ W_p1 + b_p1) @ W_p2 + b_p2
    # original dense adjacency of the subgraph (reconstruction target)
    orig_adj = jnp.zeros((Bn, Bn), dtype=jnp.float32).at[dst_l, src_l].add(w)
    orig_adj = jnp.clip(orig_adj, 0.0, 1.0)
    return mu, logvar, rec_adj_logits, rec_x, mu_proj, orig_adj

if __name__ == "__main__":
    import jax
    _d = setup_inputs()
    print(jax.jit(kernel)(*tuple(_d.values())))

</pallas_src>

<mosaic_0001>
#map = affine_map<(d0, d1) -> (0)>
#map1 = affine_map<(d0, d1) -> (0, 0)>
module attributes {stable_mosaic.version = 14 : i64} {
  func.func @gvae_sc_build(%arg0: i32, %arg1: i32, %arg2: memref<160000xi32, #tpu.memory_space<hbm>>, %arg3: memref<160000xi32, #tpu.memory_space<hbm>>, %arg4: memref<10000xi32, #tpu.memory_space<hbm>>, %arg5: memref<2048xi32, #tpu.memory_space<hbm>>, %arg6: memref<10000x128xf32, #tpu.memory_space<hbm>>, %arg7: memref<4194304xf32, #tpu.memory_space<hbm>>, %arg8: memref<2048x128xf32, #tpu.memory_space<hbm>>, %arg9: memref<10000xi32, #tpu.memory_space<vmem>>, %arg10: memref<10000xi32, #tpu.memory_space<vmem>>, %arg11: memref<10000xi32, #tpu.memory_space<vmem>>, %arg12: memref<10016xi32, #tpu.memory_space<vmem>>, %arg13: memref<10160xi32, #tpu.memory_space<vmem>>, %arg14: memref<16xf32, #tpu.memory_space<vmem>>, %arg15: memref<2048xf32, #tpu.memory_space<vmem>>, %arg16: memref<64xi32, #tpu.memory_space<vmem>>, %arg17: memref<64x128xf32, #tpu.memory_space<vmem>>, %arg18: memref<1048584xf32, #tpu.memory_space<vmem_shared>>, %arg19: memref<!tpu.dma_semaphore, #tpu.memory_space<semaphore_mem>>, %arg20: memref<!tpu.dma_semaphore, #tpu.memory_space<semaphore_mem>>, %arg21: memref<!tpu.dma_semaphore, #tpu.memory_space<semaphore_mem>>) attributes {dimension_semantics = [#tpu.dimension_semantics<core_parallel>, #tpu.dimension_semantics<subcore_parallel>], iteration_bounds = array<i64: 2, 16>, scalar_prefetch = 0 : i64, scratch_operands = 13 : i64, tpu.core_type = #tpu.core_type<sc_vector_subcore>, window_params = [{transform_indices = #map}, {transform_indices = #map}, {transform_indices = #map}, {transform_indices = #map}, {transform_indices = #map1}, {transform_indices = #map}, {transform_indices = #map1}]} {
    %mul3A = arith.constant 16 : i32
    %mul3A_0 = arith.muli %arg0, %mul3A : i32
    %add3A = arith.addi %mul3A_0, %arg1 : i32
    %mul3A_1 = arith.constant 64 : i32
    %mul3A_2 = arith.muli %add3A, %mul3A_1 : i32
    "tpu.region"() ({
      %run_scoped3A = tpu.sem_alloc : memref<!tpu.dma_semaphore, #tpu.memory_space<semaphore_mem>>
      %dma_start3A_312 = tpu.memref_slice %arg5[%mul3A_2] : memref<2048xi32, #tpu.memory_space<hbm>> -> memref<64xi32, #tpu.memory_space<hbm>>
      %dma_start3A_313 = tpu.memref_slice %arg5[%mul3A_2] : memref<2048xi32, #tpu.memory_space<hbm>> -> memref<64xi32, #tpu.memory_space<hbm>>
      tpu.enqueue_dma source(%dma_start3A_313 : memref<64xi32, #tpu.memory_space<hbm>>) target(%arg16 : memref<64xi32, #tpu.memory_space<vmem>>) target_semaphore(%run_scoped3A : memref<!tpu.dma_semaphore, #tpu.memory_space<semaphore_mem>>)
      %dma_wait3A_314 = tpu.memref_slice %arg5[%mul3A_2] : memref<2048xi32, #tpu.memory_space<hbm>> -> memref<64xi32, #tpu.memory_space<hbm>>
      %dma_wait3A_315 = tpu.memref_slice %arg5[%mul3A_2] : memref<2048xi32, #tpu.memory_space<hbm>> -> memref<64xi32, #tpu.memory_space<hbm>>
      tpu.wait_dma2 semaphore(%run_scoped3A : memref<!tpu.dma_semaphore, #tpu.memory_space<semaphore_mem>>) src(%dma_wait3A_315 : memref<64xi32, #tpu.memory_space<hbm>>) dst(%arg16 : memref<64xi32, #tpu.memory_space<vmem>>)
      tpu.yield
    }) : () -> ()
    %dma_start3A = arith.constant 0 : i32
    %dma_start3A_3 = arith.constant 0 : i32
    %dma_start3A_4 = tpu.memref_slice %arg6[%dma_start3A, %dma_start3A_3] : memref<10000x128xf32, #tpu.memory_space<hbm>> -> memref<10000x128xf32, #tpu.memory_space<hbm>>
    tpu.enqueue_indirect_dma source(%dma_start3A_4 : memref<10000x128xf32, #tpu.memory_space<hbm>>) target(%arg17 : memref<64x128xf32, #tpu.memory_space<vmem>>) offsets(%arg16 : memref<64xi32, #tpu.memory_space<vmem>>) semaphore(%arg19 : memref<!tpu.dma_semaphore, #tpu.memory_space<semaphore_mem>>)
    %dma_wait3A = arith.constant 0 : i32
    %dma_wait3A_5 = arith.constant 0 : i32
    %dma_wait3A_6 = tpu.memref_slice %arg6[%dma_wait3A, %dma_wait3A_5] : memref<10000x128xf32, #tpu.memory_space<hbm>> -> memref<10000x128xf32, #tpu.memory_space<hbm>>
    tpu.wait_indirect_dma semaphore(%arg19 : memref<!tpu.dma_semaphore, #tpu.memory_space<semaphore_mem>>) src(%dma_wait3A_6 : memref<10000x128xf32, #tpu.memory_space<hbm>>) dst(%arg17 : memref<64x128xf32, #tpu.memory_space<vmem>>)
    %mul3A_7 = arith.constant 64 : i32
    %mul3A_8 = arith.muli %add3A, %mul3A_7 : i32
    "tpu.region"() ({
      %run_scoped3A = tpu.sem_alloc : memref<!tpu.dma_semaphore, #tpu.memory_space<semaphore_mem>>
      %dma_start3A_312 = arith.constant 0 : i32
      %dma_start3A_313 = tpu.memref_slice %arg8[%mul3A_8, %dma_start3A_312] : memref<2048x128xf32, #tpu.memory_space<hbm>> -> memref<64x128xf32, #tpu.memory_space<hbm>>
      %dma_start3A_314 = arith.constant 0 : i32
      %dma_start3A_315 = tpu.memref_slice %arg8[%mul3A_8, %dma_start3A_314] : memref<2048x128xf32, #tpu.memory_space<hbm>> -> memref<64x128xf32, #tpu.memory_space<hbm>>
      tpu.enqueue_dma source(%arg17 : memref<64x128xf32, #tpu.memory_space<vmem>>) target(%dma_start3A_315 : memref<64x128xf32, #tpu.memory_space<hbm>>) target_semaphore(%run_scoped3A : memref<!tpu.dma_semaphore, #tpu.memory_space<semaphore_mem>>)
      %dma_wait3A_316 = arith.constant 0 : i32
      %dma_wait3A_317 = tpu.memref_slice %arg8[%mul3A_8, %dma_wait3A_316] : memref<2048x128xf32, #tpu.memory_space<hbm>> -> memref<64x128xf32, #tpu.memory_space<hbm>>
      %dma_wait3A_318 = arith.constant 0 : i32
      %dma_wait3A_319 = tpu.memref_slice %arg8[%mul3A_8, %dma_wait3A_318] : memref<2048x128xf32, #tpu.memory_space<hbm>> -> memref<64x128xf32, #tpu.memory_space<hbm>>
      tpu.wait_dma2 semaphore(%run_scoped3A : memref<!tpu.dma_semaphore, #tpu.memory_space<semaphore_mem>>) src(%arg17 : memref<64x128xf32, #tpu.memory_space<vmem>>) dst(%dma_wait3A_319 : memref<64x128xf32, #tpu.memory_space<hbm>>)
      tpu.yield
    }) : () -> ()
    "tpu.region"() ({
      %run_scoped3A = tpu.sem_alloc : memref<!tpu.dma_semaphore, #tpu.memory_space<semaphore_mem>>
      tpu.enqueue_dma source(%arg4 : memref<10000xi32, #tpu.memory_space<hbm>>) target(%arg9 : memref<10000xi32, #tpu.memory_space<vmem>>) target_semaphore(%run_scoped3A : memref<!tpu.dma_semaphore, #tpu.memory_space<semaphore_mem>>)
      tpu.wait_dma2 semaphore(%run_scoped3A : memref<!tpu.dma_semaphore, #tpu.memory_space<semaphore_mem>>) src(%arg4 : memref<10000xi32, #tpu.memory_space<hbm>>) dst(%arg9 : memref<10000xi32, #tpu.memory_space<vmem>>)
      tpu.yield
    }) : () -> ()
    %mul3A_9 = arith.constant 10000 : i32
    %mul3A_10 = arith.muli %arg1, %mul3A_9 : i32
    "tpu.region"() ({
      %run_scoped3A = tpu.sem_alloc : memref<!tpu.dma_semaphore, #tpu.memory_space<semaphore_mem>>
      %dma_start3A_312 = tpu.memref_slice %arg2[%mul3A_10] : memref<160000xi32, #tpu.memory_space<hbm>> -> memref<10000xi32, #tpu.memory_space<hbm>>
      %dma_start3A_313 = tpu.memref_slice %arg2[%mul3A_10] : memref<160000xi32, #tpu.memory_space<hbm>> -> memref<10000xi32, #tpu.memory_space<hbm>>
      tpu.enqueue_dma source(%dma_start3A_313 : memref<10000xi32, #tpu.memory_space<hbm>>) target(%arg10 : memref<10000xi32, #tpu.memory_space<vmem>>) target_semaphore(%run_scoped3A : memref<!tpu.dma_semaphore, #tpu.memory_space<semaphore_mem>>)
      %dma_wait3A_314 = tpu.memref_slice %arg2[%mul3A_10] : memref<160000xi32, #tpu.memory_space<hbm>> -> memref<10000xi32, #tpu.memory_space<hbm>>
      %dma_wait3A_315 = tpu.memref_slice %arg2[%mul3A_10] : memref<160000xi32, #tpu.memory_space<hbm>> -> memref<10000xi32, #tpu.memory_space<hbm>>
      tpu.wait_dma2 semaphore(%run_scoped3A : memref<!tpu.dma_semaphore, #tpu.memory_space<semaphore_mem>>) src(%dma_wait3A_315 : memref<10000xi32, #tpu.memory_space<hbm>>) dst(%arg10 : memref<10000xi32, #tpu.memory_space<vmem>>)
      tpu.yield
    }) : () -> ()
    "tpu.region"() ({
      %run_scoped3A = tpu.sem_alloc : memref<!tpu.dma_semaphore, #tpu.memory_space<semaphore_mem>>
      %dma_start3A_312 = tpu.memref_slice %arg3[%mul3A_10] : memref<160000xi32, #tpu.memory_space<hbm>> -> memref<10000xi32, #tpu.memory_space<hbm>>
      %dma_start3A_313 = tpu.memref_slice %arg3[%mul3A_10] : memref<160000xi32, #tpu.memory_space<hbm>> -> memref<10000xi32, #tpu.memory_space<hbm>>
      tpu.enqueue_dma source(%dma_start3A_313 : memref<10000xi32, #tpu.memory_space<hbm>>) target(%arg11 : memref<10000xi32, #tpu.memory_space<vmem>>) target_semaphore(%run_scoped3A : memref<!tpu.dma_semaphore, #tpu.memory_space<semaphore_mem>>)
      %dma_wait3A_314 = tpu.memref_slice %arg3[%mul3A_10] : memref<160000xi32, #tpu.memory_space<hbm>> -> memref<10000xi32, #tpu.memory_space<hbm>>
      %dma_wait3A_315 = tpu.memref_slice %arg3[%mul3A_10] : memref<160000xi32, #tpu.memory_space<hbm>> -> memref<10000xi32, #tpu.memory_space<hbm>>
      tpu.wait_dma2 semaphore(%run_scoped3A : memref<!tpu.dma_semaphore, #tpu.memory_space<semaphore_mem>>) src(%dma_wait3A_315 : memref<10000xi32, #tpu.memory_space<hbm>>) dst(%arg11 : memref<10000xi32, #tpu.memory_space<vmem>>)
      tpu.yield
    }) : () -> ()
    %broadcast_in_dim3A = arith.constant 1.000000e+00 : f32
    %broadcast_in_dim3A_11 = vector.broadcast %broadcast_in_dim3A : f32 to vector<16xf32>
    %swap3A = arith.constant 0 : index
    %swap3A_12 = tpu.vector_load %arg14[%swap3A] {strides = array<i32>} : memref<16xf32, #tpu.memory_space<vmem>>, vector<16xf32>,
    tpu.vector_store %arg14[%swap3A], %broadcast_in_dim3A_11 {strides = array<i32>} : memref<16xf32, #tpu.memory_space<vmem>>, vector<16xf32>,
    %scan3A = arith.constant 0 : i32
    %scan3A_13 = arith.constant 0 : i32
    %scan3A_14 = arith.constant 128 : i32
    %scan3A_15 = arith.addi %scan3A_13, %scan3A_14 : i32
    %scan3A_16 = arith.constant 1 : i32
    %scan3A_17 = scf.for %scan3A_312 = %scan3A_13 to %scan3A_15 step %scan3A_16 iter_args(%scan3A_313 = %scan3A) -> (i32)  : i32 {
      %broadcast_in_dim3A_314 = arith.constant 0.000000e+00 : f32
      %broadcast_in_dim3A_315 = vector.broadcast %broadcast_in_dim3A_314 : f32 to vector<16xf32>
      %mul3A_316 = arith.constant 16 : i32
      %mul3A_317 = arith.muli %scan3A_312, %mul3A_316 : i32
      %swap3A_318 = arith.index_cast %mul3A_317 : i32 to index
      %swap3A_319 = tpu.vector_load %arg15[%swap3A_318] {strides = array<i32>} : memref<2048xf32, #tpu.memory_space<vmem>>, vector<16xf32>,
      tpu.vector_store %arg15[%swap3A_318], %broadcast_in_dim3A_315 {strides = array<i32>} : memref<2048xf32, #tpu.memory_space<vmem>>, vector<16xf32>,
      %scan3A_320 = arith.constant 0 : i32
      scf.yield %scan3A_320 : i32
    }
    %scan3A_18 = arith.constant 128 : i32
    %scan3A_19 = arith.constant 0 : i32
    %scan3A_20 = arith.constant 0 : i32
    %scan3A_21 = arith.constant 312 : i32
    %scan3A_22 = arith.addi %scan3A_20, %scan3A_21 : i32
    %scan3A_23 = arith.constant 1 : i32
    %scan3A_24 = scf.for %scan3A_312 = %scan3A_20 to %scan3A_22 step %scan3A_23 iter_args(%scan3A_313 = %scan3A_19) -> (i32)  : i32 {
      %mul3A_314 = arith.constant 2 : i32
      %mul3A_315 = arith.muli %scan3A_312, %mul3A_314 : i32
      %add3A_316 = arith.constant 0 : i32
      %add3A_317 = arith.addi %mul3A_315, %add3A_316 : i32
      %mul3A_318 = arith.constant 16 : i32
      %mul3A_319 = arith.muli %add3A_317, %mul3A_318 : i32
      %get3A_320 = arith.index_cast %mul3A_319 : i32 to index
      %get3A_321 = tpu.vector_load %arg10[%get3A_320] {strides = array<i32>} : memref<10000xi32, #tpu.memory_space<vmem>>, vector<16xi32>,
      %gather3A_322 = tpu.vector_load_idx %arg9[%get3A_321] : memref<10000xi32, #tpu.memory_space<vmem>>[vector<16xi32>], vector<16xi32>,
      %get3A_323 = arith.index_cast %mul3A_319 : i32 to index
      %get3A_324 = tpu.vector_load %arg11[%get3A_323] {strides = array<i32>} : memref<10000xi32, #tpu.memory_space<vmem>>, vector<16xi32>,
      %gather3A_325 = tpu.vector_load_idx %arg9[%get3A_324] : memref<10000xi32, #tpu.memory_space<vmem>>[vector<16xi32>], vector<16xi32>,
      %ge3A_326 = arith.constant 0 : i32
      %ge3A_327 = vector.broadcast %ge3A_326 : i32 to vector<16xi32>
      %ge3A_328 = arith.cmpi sge, %gather3A_322, %ge3A_327 : vector<16xi32>
      %ge3A_329 = arith.constant 0 : i32
      %ge3A_330 = vector.broadcast %ge3A_329 : i32 to vector<16xi32>
      %ge3A_331 = arith.cmpi sge, %gather3A_325, %ge3A_330 : vector<16xi32>
      %and3A_332 = arith.andi %ge3A_328, %ge3A_331 : vector<16xi1>
      %mul3A_333 = arith.constant 2048 : i32
      %mul3A_334 = vector.broadcast %mul3A_333 : i32 to vector<16xi32>
      %mul3A_335 = arith.muli %gather3A_325, %mul3A_334 : vector<16xi32>
      %add3A_336 = arith.addi %mul3A_335, %gather3A_322 : vector<16xi32>
      %swap3A_337 = arith.index_cast %scan3A_313 : i32 to index
      %swap3A_338 = tpu.vector_load %arg12[%swap3A_337] masked %and3A_332 {strides = array<i32>} : memref<10016xi32, #tpu.memory_space<vmem>>, vector<16xi32>, vector<16xi1>
      tpu.vector_store %arg12[%swap3A_337], %add3A_336 masked %and3A_332 {strides = array<i32>} : memref<10016xi32, #tpu.memory_space<vmem>>, vector<16xi32>, vector<16xi1>
      %convert_element_type3A_339 = arith.extui %and3A_332 : vector<16xi1> to vector<16xi32>
      %reduce_sum3A_340 = arith.constant true
      %reduce_sum3A_341 = vector.broadcast %reduce_sum3A_340 : i1 to vector<16xi1>
      %reduce_sum3A_342 = tpu.scan <sum>, %convert_element_type3A_339 masked %reduce_sum3A_341 : vector<16xi32>, vector<16xi1> -> vector<16xi32>
      %reduce_sum3A_343 = vector.extract %reduce_sum3A_342[15] : i32 from vector<16xi32>
      %add3A_344 = arith.addi %scan3A_313, %reduce_sum3A_343 : i32
      %mul3A_345 = arith.constant 2 : i32
      %mul3A_346 = arith.muli %scan3A_312, %mul3A_345 : i32
      %add3A_347 = arith.constant 1 : i32
      %add3A_348 = arith.addi %mul3A_346, %add3A_347 : i32
      %mul3A_349 = arith.constant 16 : i32
      %mul3A_350 = arith.muli %add3A_348, %mul3A_349 : i32
      %get3A_351 = arith.index_cast %mul3A_350 : i32 to index
      %get3A_352 = tpu.vector_load %arg10[%get3A_351] {strides = array<i32>} : memref<10000xi32, #tpu.memory_space<vmem>>, vector<16xi32>,
      %gather3A_353 = tpu.vector_load_idx %arg9[%get3A_352] : memref<10000xi32, #tpu.memory_space<vmem>>[vector<16xi32>], vector<16xi32>,
      %get3A_354 = arith.index_cast %mul3A_350 : i32 to index
      %get3A_355 = tpu.vector_load %arg11[%get3A_354] {strides = array<i32>} : memref<10000xi32, #tpu.memory_space<vmem>>, vector<16xi32>,
      %gather3A_356 = tpu.vector_load_idx %arg9[%get3A_355] : memref<10000xi32, #tpu.memory_space<vmem>>[vector<16xi32>], vector<16xi32>,
      %ge3A_357 = arith.constant 0 : i32
      %ge3A_358 = vector.broadcast %ge3A_357 : i32 to vector<16xi32>
      %ge3A_359 = arith.cmpi sge, %gather3A_353, %ge3A_358 : vector<16xi32>
      %ge3A_360 = arith.constant 0 : i32
      %ge3A_361 = vector.broadcast %ge3A_360 : i32 to vector<16xi32>
      %ge3A_362 = arith.cmpi sge, %gather3A_356, %ge3A_361 : vector<16xi32>
      %and3A_363 = arith.andi %ge3A_359, %ge3A_362 : vector<16xi1>
      %mul3A_364 = arith.constant 2048 : i32
      %mul3A_365 = vector.broadcast %mul3A_364 : i32 to vector<16xi32>
      %mul3A_366 = arith.muli %gather3A_356, %mul3A_365 : vector<16xi32>
      %add3A_367 = arith.addi %mul3A_366, %gather3A_353 : vector<16xi32>
      %swap3A_368 = arith.index_cast %add3A_344 : i32 to index
      %swap3A_369 = tpu.vector_load %arg12[%swap3A_368] masked %and3A_363 {strides = array<i32>} : memref<10016xi32, #tpu.memory_space<vmem>>, vector<16xi32>, vector<16xi1>
      tpu.vector_store %arg12[%swap3A_368], %add3A_367 masked %and3A_363 {strides = array<i32>} : memref<10016xi32, #tpu.memory_space<vmem>>, vector<16xi32>, vector<16xi1>
      %convert_element_type3A_370 = arith.extui %and3A_363 : vector<16xi1> to vector<16xi32>
      %reduce_sum3A_371 = arith.constant true
      %reduce_sum3A_372 = vector.broadcast %reduce_sum3A_371 : i1 to vector<16xi1>
      %reduce_sum3A_373 = tpu.scan <sum>, %convert_element_type3A_370 masked %reduce_sum3A_372 : vector<16xi32>, vector<16xi1> -> vector<16xi32>
      %reduce_sum3A_374 = vector.extract %reduce_sum3A_373[15] : i32 from vector<16xi32>
      %add3A_375 = arith.addi %add3A_344, %reduce_sum3A_374 : i32
      scf.yield %add3A_375 : i32
    }
    %scan3A_25 = arith.constant 312 : i32
    %get3A = arith.constant 9984 : index
    %get3A_26 = tpu.vector_load %arg10[%get3A] {strides = array<i32>} : memref<10000xi32, #tpu.memory_space<vmem>>, vector<16xi32>,
    %gather3A = tpu.vector_load_idx %arg9[%get3A_26] : memref<10000xi32, #tpu.memory_space<vmem>>[vector<16xi32>], vector<16xi32>,
    %get3A_27 = arith.constant 9984 : index
    %get3A_28 = tpu.vector_load %arg11[%get3A_27] {strides = array<i32>} : memref<10000xi32, #tpu.memory_space<vmem>>, vector<16xi32>,
    %gather3A_29 = tpu.vector_load_idx %arg9[%get3A_28] : memref<10000xi32, #tpu.memory_space<vmem>>[vector<16xi32>], vector<16xi32>,
    %ge3A = arith.constant 0 : i32
    %ge3A_30 = vector.broadcast %ge3A : i32 to vector<16xi32>
    %ge3A_31 = arith.cmpi sge, %gather3A, %ge3A_30 : vector<16xi32>
    %ge3A_32 = arith.constant 0 : i32
    %ge3A_33 = vector.broadcast %ge3A_32 : i32 to vector<16xi32>
    %ge3A_34 = arith.cmpi sge, %gather3A_29, %ge3A_33 : vector<16xi32>
    %and3A = arith.andi %ge3A_31, %ge3A_34 : vector<16xi1>
    %mul3A_35 = arith.constant 2048 : i32
    %mul3A_36 = vector.broadcast %mul3A_35 : i32 to vector<16xi32>
    %mul3A_37 = arith.muli %gather3A_29, %mul3A_36 : vector<16xi32>
    %add3A_38 = arith.addi %mul3A_37, %gather3A : vector<16xi32>
    %swap3A_39 = arith.index_cast %scan3A_24 : i32 to index
    %swap3A_40 = tpu.vector_load %arg12[%swap3A_39] masked %and3A {strides = array<i32>} : memref<10016xi32, #tpu.memory_space<vmem>>, vector<16xi32>, vector<16xi1>
    tpu.vector_store %arg12[%swap3A_39], %add3A_38 masked %and3A {strides = array<i32>} : memref<10016xi32, #tpu.memory_space<vmem>>, vector<16xi32>, vector<16xi1>
    %convert_element_type3A = arith.extui %and3A : vector<16xi1> to vector<16xi32>
    %reduce_sum3A = arith.constant true
    %reduce_sum3A_41 = vector.broadcast %reduce_sum3A : i1 to vector<16xi1>
    %reduce_sum3A_42 = tpu.scan <sum>, %convert_element_type3A masked %reduce_sum3A_41 : vector<16xi32>, vector<16xi1> -> vector<16xi32>
    %reduce_sum3A_43 = vector.extract %reduce_sum3A_42[15] : i32 from vector<16xi32>
    %add3A_44 = arith.addi %scan3A_24, %reduce_sum3A_43 : i32
    %broadcast_in_dim3A_45 = arith.constant 4194304 : i32
    %broadcast_in_dim3A_46 = vector.broadcast %broadcast_in_dim3A_45 : i32 to vector<16xi32>
    %swap3A_47 = arith.index_cast %add3A_44 : i32 to index
    %swap3A_48 = tpu.vector_load %arg12[%swap3A_47] {strides = array<i32>} : memref<10016xi32, #tpu.memory_space<vmem>>, vector<16xi32>,
    tpu.vector_store %arg12[%swap3A_47], %broadcast_in_dim3A_46 {strides = array<i32>} : memref<10016xi32, #tpu.memory_space<vmem>>, vector<16xi32>,
    %add3A_49 = arith.constant 15 : i32
    %add3A_50 = arith.addi %add3A_44, %add3A_49 : i32
    %jit3A = arith.constant 16 : i32
    %div3A = arith.divsi %add3A_50, %jit3A : i32
    %sign3A = arith.constant 0 : i32
    %sign3A_51 = arith.cmpi sgt, %add3A_50, %sign3A : i32
    %sign3A_52 = arith.extui %sign3A_51 : i1 to i32
    %sign3A_53 = arith.constant 0 : i32
    %sign3A_54 = arith.cmpi slt, %add3A_50, %sign3A_53 : i32
    %sign3A_55 = arith.extui %sign3A_54 : i1 to i32
    %sign3A_56 = arith.subi %sign3A_52, %sign3A_55 : i32
    %sign3A_57 = arith.constant 0 : i32
    %sign3A_58 = arith.cmpi sgt, %jit3A, %sign3A_57 : i32
    %sign3A_59 = arith.extui %sign3A_58 : i1 to i32
    %sign3A_60 = arith.constant 0 : i32
    %sign3A_61 = arith.cmpi slt, %jit3A, %sign3A_60 : i32
    %sign3A_62 = arith.extui %sign3A_61 : i1 to i32
    %sign3A_63 = arith.subi %sign3A_59, %sign3A_62 : i32
    %ne3A = arith.cmpi ne, %sign3A_56, %sign3A_63 : i32
    %rem3A = arith.remsi %add3A_50, %jit3A : i32
    %ne3A_64 = arith.constant 0 : i32
    %ne3A_65 = arith.cmpi ne, %rem3A, %ne3A_64 : i32
    %and3A_66 = arith.andi %ne3A, %ne3A_65 : i1
    %sub3A = arith.constant 1 : i32
    %sub3A_67 = arith.subi %div3A, %sub3A : i32
    %select_n3A = arith.select %and3A_66, %sub3A_67, %div3A : i32
    %add3A_68 = arith.constant 0 : i32
    %add3A_69 = arith.addi %add3A_68, %arg0 : i32
    %mul3A_70 = arith.constant 1048576 : i32
    %mul3A_71 = arith.muli %add3A_69, %mul3A_70 : i32
    %mul3A_72 = arith.constant 65536 : i32
    %mul3A_73 = arith.muli %arg1, %mul3A_72 : i32
    %dma_start3A_74 = tpu.memref_slice %arg18[%mul3A_73] : memref<1048584xf32, #tpu.memory_space<vmem_shared>> -> memref<2048xf32, #tpu.memory_space<vmem_shared>>
    %dma_start3A_75 = tpu.memref_slice %arg18[%mul3A_73] : memref<1048584xf32, #tpu.memory_space<vmem_shared>> -> memref<2048xf32, #tpu.memory_space<vmem_shared>>
    tpu.enqueue_dma source(%arg15 : memref<2048xf32, #tpu.memory_space<vmem>>) target(%dma_start3A_75 : memref<2048xf32, #tpu.memory_space<vmem_shared>>) target_semaphore(%arg19 : memref<!tpu.dma_semaphore, #tpu.memory_space<semaphore_mem>>)
    %scan3A_76 = arith.constant 0 : i32
    %scan3A_77 = arith.constant 1 : i32
    %scan3A_78 = arith.constant 31 : i32
    %scan3A_79 = arith.addi %scan3A_77, %scan3A_78 : i32
    %scan3A_80 = arith.constant 1 : i32
    %scan3A_81 = scf.for %scan3A_312 = %scan3A_77 to %scan3A_79 step %scan3A_80 iter_args(%scan3A_313 = %scan3A_76) -> (i32)  : i32 {
      %mul3A_314 = arith.constant 65536 : i32
      %mul3A_315 = arith.muli %arg1, %mul3A_314 : i32
      %mul3A_316 = arith.constant 2048 : i32
      %mul3A_317 = arith.muli %scan3A_312, %mul3A_316 : i32
      %add3A_318 = arith.addi %mul3A_315, %mul3A_317 : i32
      %dma_start3A_319 = tpu.memref_slice %arg18[%add3A_318] : memref<1048584xf32, #tpu.memory_space<vmem_shared>> -> memref<2048xf32, #tpu.memory_space<vmem_shared>>
      %dma_start3A_320 = tpu.memref_slice %arg18[%add3A_318] : memref<1048584xf32, #tpu.memory_space<vmem_shared>> -> memref<2048xf32, #tpu.memory_space<vmem_shared>>
      tpu.enqueue_dma source(%arg15 : memref<2048xf32, #tpu.memory_space<vmem>>) target(%dma_start3A_320 : memref<2048xf32, #tpu.memory_space<vmem_shared>>) target_semaphore(%arg19 : memref<!tpu.dma_semaphore, #tpu.memory_space<semaphore_mem>>)
      %scan3A_321 = arith.constant 0 : i32
      scf.yield %scan3A_321 : i32
    }
    %scan3A_82 = arith.constant 31 : i32
    %while3A = arith.constant 0 : i32
    %while3A_83 = arith.constant 0 : i32
    %while3A_84 = arith.subi %select_n3A, %while3A : i32
    %while3A_85 = arith.addi %while3A, %while3A_84 : i32
    %while3A_86 = arith.constant 1 : i32
    %while3A_87 = arith.divsi %while3A_84, %while3A_86 : i32
    %while3A_88 = arith.muli %while3A_87, %while3A_86 : i32
    %while3A_89 = arith.addi %while3A, %while3A_88 : i32
    %while3A_90 = arith.constant 1 : i32
    %while3A_91 = scf.for %while3A_312 = %while3A to %while3A_89 step %while3A_90 iter_args(%while3A_313 = %while3A_83) -> (i32)  : i32 {
      %mul3A_314 = arith.constant 16 : i32
      %mul3A_315 = arith.muli %while3A_312, %mul3A_314 : i32
      %get3A_316 = arith.index_cast %mul3A_315 : i32 to index
      %get3A_317 = tpu.vector_load %arg12[%get3A_316] {strides = array<i32>} : memref<10016xi32, #tpu.memory_space<vmem>>, vector<16xi32>,
      %ge3A_318 = vector.broadcast %mul3A_71 : i32 to vector<16xi32>
      %ge3A_319 = arith.cmpi sge, %get3A_317, %ge3A_318 : vector<16xi32>
      %add3A_320 = arith.constant 1048576 : i32
      %add3A_321 = arith.addi %mul3A_71, %add3A_320 : i32
      %lt3A = vector.broadcast %add3A_321 : i32 to vector<16xi32>
      %lt3A_322 = arith.cmpi slt, %get3A_317, %lt3A : vector<16xi32>
      %and3A_323 = arith.andi %ge3A_319, %lt3A_322 : vector<16xi1>
      %sub3A_324 = vector.broadcast %mul3A_71 : i32 to vector<16xi32>
      %sub3A_325 = arith.subi %get3A_317, %sub3A_324 : vector<16xi32>
      %swap3A_326 = arith.index_cast %while3A_313 : i32 to index
      %swap3A_327 = tpu.vector_load %arg13[%swap3A_326] masked %and3A_323 {strides = array<i32>} : memref<10160xi32, #tpu.memory_space<vmem>>, vector<16xi32>, vector<16xi1>
      tpu.vector_store %arg13[%swap3A_326], %sub3A_325 masked %and3A_323 {strides = array<i32>} : memref<10160xi32, #tpu.memory_space<vmem>>, vector<16xi32>, vector<16xi1>
      %convert_element_type3A_328 = arith.extui %and3A_323 : vector<16xi1> to vector<16xi32>
      %reduce_sum3A_329 = arith.constant true
      %reduce_sum3A_330 = vector.broadcast %reduce_sum3A_329 : i1 to vector<16xi1>
      %reduce_sum3A_331 = tpu.scan <sum>, %convert_element_type3A_328 masked %reduce_sum3A_330 : vector<16xi32>, vector<16xi1> -> vector<16xi32>
      %reduce_sum3A_332 = vector.extract %reduce_sum3A_331[15] : i32 from vector<16xi32>
      %add3A_333 = arith.addi %while3A_313, %reduce_sum3A_332 : i32
      scf.yield %add3A_333 : i32
    }
    %while3A_92 = arith.constant 1 : i32
    %while3A_93 = scf.for %while3A_312 = %while3A_89 to %while3A_85 step %while3A_92 iter_args(%while3A_313 = %while3A_91) -> (i32)  : i32 {
      %mul3A_314 = arith.constant 16 : i32
      %mul3A_315 = arith.muli %while3A_312, %mul3A_314 : i32
      %get3A_316 = arith.index_cast %mul3A_315 : i32 to index
      %get3A_317 = tpu.vector_load %arg12[%get3A_316] {strides = array<i32>} : memref<10016xi32, #tpu.memory_space<vmem>>, vector<16xi32>,
      %ge3A_318 = vector.broadcast %mul3A_71 : i32 to vector<16xi32>
      %ge3A_319 = arith.cmpi sge, %get3A_317, %ge3A_318 : vector<16xi32>
      %add3A_320 = arith.constant 1048576 : i32
      %add3A_321 = arith.addi %mul3A_71, %add3A_320 : i32
      %lt3A = vector.broadcast %add3A_321 : i32 to vector<16xi32>
      %lt3A_322 = arith.cmpi slt, %get3A_317, %lt3A : vector<16xi32>
      %and3A_323 = arith.andi %ge3A_319, %lt3A_322 : vector<16xi1>
      %sub3A_324 = vector.broadcast %mul3A_71 : i32 to vector<16xi32>
      %sub3A_325 = arith.subi %get3A_317, %sub3A_324 : vector<16xi32>
      %swap3A_326 = arith.index_cast %while3A_313 : i32 to index
      %swap3A_327 = tpu.vector_load %arg13[%swap3A_326] masked %and3A_323 {strides = array<i32>} : memref<10160xi32, #tpu.memory_space<vmem>>, vector<16xi32>, vector<16xi1>
      tpu.vector_store %arg13[%swap3A_326], %sub3A_325 masked %and3A_323 {strides = array<i32>} : memref<10160xi32, #tpu.memory_space<vmem>>, vector<16xi32>, vector<16xi1>
      %convert_element_type3A_328 = arith.extui %and3A_323 : vector<16xi1> to vector<16xi32>
      %reduce_sum3A_329 = arith.constant true
      %reduce_sum3A_330 = vector.broadcast %reduce_sum3A_329 : i1 to vector<16xi1>
      %reduce_sum3A_331 = tpu.scan <sum>, %convert_element_type3A_328 masked %reduce_sum3A_330 : vector<16xi32>, vector<16xi1> -> vector<16xi32>
      %reduce_sum3A_332 = vector.extract %reduce_sum3A_331[15] : i32 from vector<16xi32>
      %add3A_333 = arith.addi %while3A_313, %reduce_sum3A_332 : i32
      scf.yield %add3A_333 : i32
    }
    %broadcast_in_dim3A_94 = arith.constant 1048576 : i32
    %broadcast_in_dim3A_95 = vector.broadcast %broadcast_in_dim3A_94 : i32 to vector<16xi32>
    %add3A_96 = arith.constant 0 : i32
    %add3A_97 = arith.addi %while3A_93, %add3A_96 : i32
    %swap3A_98 = arith.index_cast %add3A_97 : i32 to index
    %swap3A_99 = tpu.vector_load %arg13[%swap3A_98] {strides = array<i32>} : memref<10160xi32, #tpu.memory_space<vmem>>, vector<16xi32>,
    tpu.vector_store %arg13[%swap3A_98], %broadcast_in_dim3A_95 {strides = array<i32>} : memref<10160xi32, #tpu.memory_space<vmem>>, vector<16xi32>,
    %add3A_100 = arith.constant 16 : i32
    %add3A_101 = arith.addi %while3A_93, %add3A_100 : i32
    %swap3A_102 = arith.index_cast %add3A_101 : i32 to index
    %swap3A_103 = tpu.vector_load %arg13[%swap3A_102] {strides = array<i32>} : memref<10160xi32, #tpu.memory_space<vmem>>, vector<16xi32>,
    tpu.vector_store %arg13[%swap3A_102], %broadcast_in_dim3A_95 {strides = array<i32>} : memref<10160xi32, #tpu.memory_space<vmem>>, vector<16xi32>,
    %add3A_104 = arith.constant 32 : i32
    %add3A_105 = arith.addi %while3A_93, %add3A_104 : i32
    %swap3A_106 = arith.index_cast %add3A_105 : i32 to index
    %swap3A_107 = tpu.vector_load %arg13[%swap3A_106] {strides = array<i32>} : memref<10160xi32, #tpu.memory_space<vmem>>, vector<16xi32>,
    tpu.vector_store %arg13[%swap3A_106], %broadcast_in_dim3A_95 {strides = array<i32>} : memref<10160xi32, #tpu.memory_space<vmem>>, vector<16xi32>,
    %add3A_108 = arith.constant 48 : i32
    %add3A_109 = arith.addi %while3A_93, %add3A_108 : i32
    %swap3A_110 = arith.index_cast %add3A_109 : i32 to index
    %swap3A_111 = tpu.vector_load %arg13[%swap3A_110] {strides = array<i32>} : memref<10160xi32, #tpu.memory_space<vmem>>, vector<16xi32>,
    tpu.vector_store %arg13[%swap3A_110], %broadcast_in_dim3A_95 {strides = array<i32>} : memref<10160xi32, #tpu.memory_space<vmem>>, vector<16xi32>,
    %add3A_112 = arith.constant 64 : i32
    %add3A_113 = arith.addi %while3A_93, %add3A_112 : i32
    %swap3A_114 = arith.index_cast %add3A_113 : i32 to index
    %swap3A_115 = tpu.vector_load %arg13[%swap3A_114] {strides = array<i32>} : memref<10160xi32, #tpu.memory_space<vmem>>, vector<16xi32>,
    tpu.vector_store %arg13[%swap3A_114], %broadcast_in_dim3A_95 {strides = array<i32>} : memref<10160xi32, #tpu.memory_space<vmem>>, vector<16xi32>,
    %add3A_116 = arith.constant 80 : i32
    %add3A_117 = arith.addi %while3A_93, %add3A_116 : i32
    %swap3A_118 = arith.index_cast %add3A_117 : i32 to index
    %swap3A_119 = tpu.vector_load %arg13[%swap3A_118] {strides = array<i32>} : memref<10160xi32, #tpu.memory_space<vmem>>, vector<16xi32>,
    tpu.vector_store %arg13[%swap3A_118], %broadcast_in_dim3A_95 {strides = array<i32>} : memref<10160xi32, #tpu.memory_space<vmem>>, vector<16xi32>,
    %add3A_120 = arith.constant 96 : i32
    %add3A_121 = arith.addi %while3A_93, %add3A_120 : i32
    %swap3A_122 = arith.index_cast %add3A_121 : i32 to index
    %swap3A_123 = tpu.vector_load %arg13[%swap3A_122] {strides = array<i32>} : memref<10160xi32, #tpu.memory_space<vmem>>, vector<16xi32>,
    tpu.vector_store %arg13[%swap3A_122], %broadcast_in_dim3A_95 {strides = array<i32>} : memref<10160xi32, #tpu.memory_space<vmem>>, vector<16xi32>,
    %add3A_124 = arith.constant 112 : i32
    %add3A_125 = arith.addi %while3A_93, %add3A_124 : i32
    %swap3A_126 = arith.index_cast %add3A_125 : i32 to index
    %swap3A_127 = tpu.vector_load %arg13[%swap3A_126] {strides = array<i32>} : memref<10160xi32, #tpu.memory_space<vmem>>, vector<16xi32>,
    tpu.vector_store %arg13[%swap3A_126], %broadcast_in_dim3A_95 {strides = array<i32>} : memref<10160xi32, #tpu.memory_space<vmem>>, vector<16xi32>,
    %add3A_128 = arith.constant 128 : i32
    %add3A_129 = arith.addi %while3A_93, %add3A_128 : i32
    %swap3A_130 = arith.index_cast %add3A_129 : i32 to index
    %swap3A_131 = tpu.vector_load %arg13[%swap3A_130] {strides = array<i32>} : memref<10160xi32, #tpu.memory_space<vmem>>, vector<16xi32>,
    tpu.vector_store %arg13[%swap3A_130], %broadcast_in_dim3A_95 {strides = array<i32>} : memref<10160xi32, #tpu.memory_space<vmem>>, vector<16xi32>,
    %scan3A_132 = arith.constant 0 : i32
    %scan3A_133 = arith.constant 0 : i32
    %scan3A_134 = arith.constant 32 : i32
    %scan3A_135 = arith.addi %scan3A_133, %scan3A_134 : i32
    %scan3A_136 = arith.constant 1 : i32
    %scan3A_137 = scf.for %scan3A_312 = %scan3A_133 to %scan3A_135 step %scan3A_136 iter_args(%scan3A_313 = %scan3A_132) -> (i32)  : i32 {
      %dma_wait3A_314 = tpu.memref_slice %arg18[%mul3A_73] : memref<1048584xf32, #tpu.memory_space<vmem_shared>> -> memref<2048xf32, #tpu.memory_space<vmem_shared>>
      %dma_wait3A_315 = tpu.memref_slice %arg18[%mul3A_73] : memref<1048584xf32, #tpu.memory_space<vmem_shared>> -> memref<2048xf32, #tpu.memory_space<vmem_shared>>
      tpu.wait_dma2 semaphore(%arg19 : memref<!tpu.dma_semaphore, #tpu.memory_space<semaphore_mem>>) src(%arg15 : memref<2048xf32, #tpu.memory_space<vmem>>) dst(%dma_wait3A_315 : memref<2048xf32, #tpu.memory_space<vmem_shared>>)
      %scan3A_316 = arith.constant 0 : i32
      scf.yield %scan3A_316 : i32
    }
    %scan3A_138 = arith.constant 32 : i32
    %barrier3A = arith.constant 0 : index
    tpu.barrier barrier_id(%barrier3A)
    %add3A_139 = arith.constant 15 : i32
    %add3A_140 = arith.addi %while3A_93, %add3A_139 : i32
    %jit3A_141 = arith.constant 16 : i32
    %div3A_142 = arith.divsi %add3A_140, %jit3A_141 : i32
    %sign3A_143 = arith.constant 0 : i32
    %sign3A_144 = arith.cmpi sgt, %add3A_140, %sign3A_143 : i32
    %sign3A_145 = arith.extui %sign3A_144 : i1 to i32
    %sign3A_146 = arith.constant 0 : i32
    %sign3A_147 = arith.cmpi slt, %add3A_140, %sign3A_146 : i32
    %sign3A_148 = arith.extui %sign3A_147 : i1 to i32
    %sign3A_149 = arith.subi %sign3A_145, %sign3A_148 : i32
    %sign3A_150 = arith.constant 0 : i32
    %sign3A_151 = arith.cmpi sgt, %jit3A_141, %sign3A_150 : i32
    %sign3A_152 = arith.extui %sign3A_151 : i1 to i32
    %sign3A_153 = arith.constant 0 : i32
    %sign3A_154 = arith.cmpi slt, %jit3A_141, %sign3A_153 : i32
    %sign3A_155 = arith.extui %sign3A_154 : i1 to i32
    %sign3A_156 = arith.subi %sign3A_152, %sign3A_155 : i32
    %ne3A_157 = arith.cmpi ne, %sign3A_149, %sign3A_156 : i32
    %rem3A_158 = arith.remsi %add3A_140, %jit3A_141 : i32
    %ne3A_159 = arith.constant 0 : i32
    %ne3A_160 = arith.cmpi ne, %rem3A_158, %ne3A_159 : i32
    %and3A_161 = arith.andi %ne3A_157, %ne3A_160 : i1
    %sub3A_162 = arith.constant 1 : i32
    %sub3A_163 = arith.subi %div3A_142, %sub3A_162 : i32
    %select_n3A_164 = arith.select %and3A_161, %sub3A_163, %div3A_142 : i32
    %add3A_165 = arith.constant 8 : i32
    %add3A_166 = arith.addi %select_n3A_164, %add3A_165 : i32
    %while3A_167 = arith.constant 0 : i32
    %while3A_168 = arith.constant 0 : i32
    %while3A_169 = arith.subi %add3A_166, %while3A_167 : i32
    %while3A_170 = arith.addi %while3A_167, %while3A_169 : i32
    %while3A_171 = arith.constant 1 : i32
    %while3A_172 = arith.divsi %while3A_169, %while3A_171 : i32
    %while3A_173 = arith.muli %while3A_172, %while3A_171 : i32
    %while3A_174 = arith.addi %while3A_167, %while3A_173 : i32
    %while3A_175 = arith.constant 1 : i32
    %while3A_176 = scf.for %while3A_312 = %while3A_167 to %while3A_174 step %while3A_175 iter_args(%while3A_313 = %while3A_168) -> (i32)  : i32 {
      %mul3A_314 = arith.constant 16 : i32
      %mul3A_315 = arith.muli %while3A_312, %mul3A_314 : i32
      %get3A_316 = arith.index_cast %mul3A_315 : i32 to index
      %get3A_317 = tpu.vector_load %arg13[%get3A_316] {strides = array<i32>} : memref<10160xi32, #tpu.memory_space<vmem>>, vector<16xi32>,
      "tpu.region"() ({
        %run_scoped3A = tpu.sem_alloc : memref<!tpu.dma_semaphore, #tpu.memory_space<semaphore_mem>>
        %dma_start3A_319 = arith.constant 0 : i32
        %dma_start3A_320 = tpu.memref_slice %arg18[%dma_start3A_319] : memref<1048584xf32, #tpu.memory_space<vmem_shared>> -> memref<1048584xf32, #tpu.memory_space<vmem_shared>>
        tpu.enqueue_indirect_dma source(%arg14 : memref<16xf32, #tpu.memory_space<vmem>>) target(%dma_start3A_320 : memref<1048584xf32, #tpu.memory_space<vmem_shared>>) offsets(%get3A_317 : vector<16xi32>) semaphore(%run_scoped3A : memref<!tpu.dma_semaphore, #tpu.memory_space<semaphore_mem>>) {add = true}
        %dma_wait3A_321 = arith.constant 0 : i32
        %dma_wait3A_322 = tpu.memref_slice %arg18[%dma_wait3A_321] : memref<1048584xf32, #tpu.memory_space<vmem_shared>> -> memref<1048584xf32, #tpu.memory_space<vmem_shared>>
        tpu.wait_indirect_dma semaphore(%run_scoped3A : memref<!tpu.dma_semaphore, #tpu.memory_space<semaphore_mem>>) src(%arg14 : memref<16xf32, #tpu.memory_space<vmem>>) dst(%dma_wait3A_322 : memref<1048584xf32, #tpu.memory_space<vmem_shared>>)
        tpu.yield
      }) : () -> ()
      %while3A_318 = arith.constant 0 : i32
      scf.yield %while3A_318 : i32
    }
    %while3A_177 = arith.constant 1 : i32
    %while3A_178 = scf.for %while3A_312 = %while3A_174 to %while3A_170 step %while3A_177 iter_args(%while3A_313 = %while3A_176) -> (i32)  : i32 {
      %mul3A_314 = arith.constant 16 : i32
      %mul3A_315 = arith.muli %while3A_312, %mul3A_314 : i32
      %get3A_316 = arith.index_cast %mul3A_315 : i32 to index
      %get3A_317 = tpu.vector_load %arg13[%get3A_316] {strides = array<i32>} : memref<10160xi32, #tpu.memory_space<vmem>>, vector<16xi32>,
      "tpu.region"() ({
        %run_scoped3A = tpu.sem_alloc : memref<!tpu.dma_semaphore, #tpu.memory_space<semaphore_mem>>
        %dma_start3A_319 = arith.constant 0 : i32
        %dma_start3A_320 = tpu.memref_slice %arg18[%dma_start3A_319] : memref<1048584xf32, #tpu.memory_space<vmem_shared>> -> memref<1048584xf32, #tpu.memory_space<vmem_shared>>
        tpu.enqueue_indirect_dma source(%arg14 : memref<16xf32, #tpu.memory_space<vmem>>) target(%dma_start3A_320 : memref<1048584xf32, #tpu.memory_space<vmem_shared>>) offsets(%get3A_317 : vector<16xi32>) semaphore(%run_scoped3A : memref<!tpu.dma_semaphore, #tpu.memory_space<semaphore_mem>>) {add = true}
        %dma_wait3A_321 = arith.constant 0 : i32
        %dma_wait3A_322 = tpu.memref_slice %arg18[%dma_wait3A_321] : memref<1048584xf32, #tpu.memory_space<vmem_shared>> -> memref<1048584xf32, #tpu.memory_space<vmem_shared>>
        tpu.wait_indirect_dma semaphore(%run_scoped3A : memref<!tpu.dma_semaphore, #tpu.memory_space<semaphore_mem>>) src(%arg14 : memref<16xf32, #tpu.memory_space<vmem>>) dst(%dma_wait3A_322 : memref<1048584xf32, #tpu.memory_space<vmem_shared>>)
        tpu.yield
      }) : () -> ()
      %while3A_318 = arith.constant 0 : i32
      scf.yield %while3A_318 : i32
    }
    %barrier3A_179 = arith.constant 0 : index
    tpu.barrier barrier_id(%barrier3A_179)
    %mul3A_180 = arith.constant 65536 : i32
    %mul3A_181 = arith.muli %arg1, %mul3A_180 : i32
    %mul3A_182 = arith.constant 65536 : i32
    %mul3A_183 = arith.muli %arg1, %mul3A_182 : i32
    %add3A_184 = arith.addi %mul3A_71, %mul3A_183 : i32
    %dma_start3A_185 = tpu.memref_slice %arg7[%add3A_184] : memref<4194304xf32, #tpu.memory_space<hbm>> -> memref<65536xf32, #tpu.memory_space<hbm>>
    %dma_start3A_186 = tpu.memref_slice %arg18[%mul3A_181] : memref<1048584xf32, #tpu.memory_space<vmem_shared>> -> memref<65536xf32, #tpu.memory_space<vmem_shared>>
    tpu.enqueue_dma source(%dma_start3A_186 : memref<65536xf32, #tpu.memory_space<vmem_shared>>) target(%dma_start3A_185 : memref<65536xf32, #tpu.memory_space<hbm>>) target_semaphore(%arg21 : memref<!tpu.dma_semaphore, #tpu.memory_space<semaphore_mem>>)
    %add3A_187 = arith.constant 2 : i32
    %add3A_188 = arith.addi %add3A_187, %arg0 : i32
    %mul3A_189 = arith.constant 1048576 : i32
    %mul3A_190 = arith.muli %add3A_188, %mul3A_189 : i32
    %dma_wait3A_191 = tpu.memref_slice %arg7[%add3A_184] : memref<4194304xf32, #tpu.memory_space<hbm>> -> memref<65536xf32, #tpu.memory_space<hbm>>
    %dma_wait3A_192 = tpu.memref_slice %arg18[%mul3A_181] : memref<1048584xf32, #tpu.memory_space<vmem_shared>> -> memref<65536xf32, #tpu.memory_space<vmem_shared>>
    tpu.wait_dma2 semaphore(%arg21 : memref<!tpu.dma_semaphore, #tpu.memory_space<semaphore_mem>>) src(%dma_wait3A_192 : memref<65536xf32, #tpu.memory_space<vmem_shared>>) dst(%dma_wait3A_191 : memref<65536xf32, #tpu.memory_space<hbm>>)
    %mul3A_193 = arith.constant 65536 : i32
    %mul3A_194 = arith.muli %arg1, %mul3A_193 : i32
    %dma_start3A_195 = tpu.memref_slice %arg18[%mul3A_194] : memref<1048584xf32, #tpu.memory_space<vmem_shared>> -> memref<2048xf32, #tpu.memory_space<vmem_shared>>
    %dma_start3A_196 = tpu.memref_slice %arg18[%mul3A_194] : memref<1048584xf32, #tpu.memory_space<vmem_shared>> -> memref<2048xf32, #tpu.memory_space<vmem_shared>>
    tpu.enqueue_dma source(%arg15 : memref<2048xf32, #tpu.memory_space<vmem>>) target(%dma_start3A_196 : memref<2048xf32, #tpu.memory_space<vmem_shared>>) target_semaphore(%arg19 : memref<!tpu.dma_semaphore, #tpu.memory_space<semaphore_mem>>)
    %scan3A_197 = arith.constant 0 : i32
    %scan3A_198 = arith.constant 1 : i32
    %scan3A_199 = arith.constant 31 : i32
    %scan3A_200 = arith.addi %scan3A_198, %scan3A_199 : i32
    %scan3A_201 = arith.constant 1 : i32
    %scan3A_202 = scf.for %scan3A_312 = %scan3A_198 to %scan3A_200 step %scan3A_201 iter_args(%scan3A_313 = %scan3A_197) -> (i32)  : i32 {
      %mul3A_314 = arith.constant 65536 : i32
      %mul3A_315 = arith.muli %arg1, %mul3A_314 : i32
      %mul3A_316 = arith.constant 2048 : i32
      %mul3A_317 = arith.muli %scan3A_312, %mul3A_316 : i32
      %add3A_318 = arith.addi %mul3A_315, %mul3A_317 : i32
      %dma_start3A_319 = tpu.memref_slice %arg18[%add3A_318] : memref<1048584xf32, #tpu.memory_space<vmem_shared>> -> memref<2048xf32, #tpu.memory_space<vmem_shared>>
      %dma_start3A_320 = tpu.memref_slice %arg18[%add3A_318] : memref<1048584xf32, #tpu.memory_space<vmem_shared>> -> memref<2048xf32, #tpu.memory_space<vmem_shared>>
      tpu.enqueue_dma source(%arg15 : memref<2048xf32, #tpu.memory_space<vmem>>) target(%dma_start3A_320 : memref<2048xf32, #tpu.memory_space<vmem_shared>>) target_semaphore(%arg19 : memref<!tpu.dma_semaphore, #tpu.memory_space<semaphore_mem>>)
      %scan3A_321 = arith.constant 0 : i32
      scf.yield %scan3A_321 : i32
    }
    %scan3A_203 = arith.constant 31 : i32
    %while3A_204 = arith.constant 0 : i32
    %while3A_205 = arith.constant 0 : i32
    %while3A_206 = arith.subi %select_n3A, %while3A_204 : i32
    %while3A_207 = arith.addi %while3A_204, %while3A_206 : i32
    %while3A_208 = arith.constant 1 : i32
    %while3A_209 = arith.divsi %while3A_206, %while3A_208 : i32
    %while3A_210 = arith.muli %while3A_209, %while3A_208 : i32
    %while3A_211 = arith.addi %while3A_204, %while3A_210 : i32
    %while3A_212 = arith.constant 1 : i32
    %while3A_213 = scf.for %while3A_312 = %while3A_204 to %while3A_211 step %while3A_212 iter_args(%while3A_313 = %while3A_205) -> (i32)  : i32 {
      %mul3A_314 = arith.constant 16 : i32
      %mul3A_315 = arith.muli %while3A_312, %mul3A_314 : i32
      %get3A_316 = arith.index_cast %mul3A_315 : i32 to index
      %get3A_317 = tpu.vector_load %arg12[%get3A_316] {strides = array<i32>} : memref<10016xi32, #tpu.memory_space<vmem>>, vector<16xi32>,
      %ge3A_318 = vector.broadcast %mul3A_190 : i32 to vector<16xi32>
      %ge3A_319 = arith.cmpi sge, %get3A_317, %ge3A_318 : vector<16xi32>
      %add3A_320 = arith.constant 1048576 : i32
      %add3A_321 = arith.addi %mul3A_190, %add3A_320 : i32
      %lt3A = vector.broadcast %add3A_321 : i32 to vector<16xi32>
      %lt3A_322 = arith.cmpi slt, %get3A_317, %lt3A : vector<16xi32>
      %and3A_323 = arith.andi %ge3A_319, %lt3A_322 : vector<16xi1>
      %sub3A_324 = vector.broadcast %mul3A_190 : i32 to vector<16xi32>
      %sub3A_325 = arith.subi %get3A_317, %sub3A_324 : vector<16xi32>
      %swap3A_326 = arith.index_cast %while3A_313 : i32 to index
      %swap3A_327 = tpu.vector_load %arg13[%swap3A_326] masked %and3A_323 {strides = array<i32>} : memref<10160xi32, #tpu.memory_space<vmem>>, vector<16xi32>, vector<16xi1>
      tpu.vector_store %arg13[%swap3A_326], %sub3A_325 masked %and3A_323 {strides = array<i32>} : memref<10160xi32, #tpu.memory_space<vmem>>, vector<16xi32>, vector<16xi1>
      %convert_element_type3A_328 = arith.extui %and3A_323 : vector<16xi1> to vector<16xi32>
      %reduce_sum3A_329 = arith.constant true
      %reduce_sum3A_330 = vector.broadcast %reduce_sum3A_329 : i1 to vector<16xi1>
      %reduce_sum3A_331 = tpu.scan <sum>, %convert_element_type3A_328 masked %reduce_sum3A_330 : vector<16xi32>, vector<16xi1> -> vector<16xi32>
      %reduce_sum3A_332 = vector.extract %reduce_sum3A_331[15] : i32 from vector<16xi32>
      %add3A_333 = arith.addi %while3A_313, %reduce_sum3A_332 : i32
      scf.yield %add3A_333 : i32
    }
    %while3A_214 = arith.constant 1 : i32
    %while3A_215 = scf.for %while3A_312 = %while3A_211 to %while3A_207 step %while3A_214 iter_args(%while3A_313 = %while3A_213) -> (i32)  : i32 {
      %mul3A_314 = arith.constant 16 : i32
      %mul3A_315 = arith.muli %while3A_312, %mul3A_314 : i32
      %get3A_316 = arith.index_cast %mul3A_315 : i32 to index
      %get3A_317 = tpu.vector_load %arg12[%get3A_316] {strides = array<i32>} : memref<10016xi32, #tpu.memory_space<vmem>>, vector<16xi32>,
      %ge3A_318 = vector.broadcast %mul3A_190 : i32 to vector<16xi32>
      %ge3A_319 = arith.cmpi sge, %get3A_317, %ge3A_318 : vector<16xi32>
      %add3A_320 = arith.constant 1048576 : i32
      %add3A_321 = arith.addi %mul3A_190, %add3A_320 : i32
      %lt3A = vector.broadcast %add3A_321 : i32 to vector<16xi32>
      %lt3A_322 = arith.cmpi slt, %get3A_317, %lt3A : vector<16xi32>
      %and3A_323 = arith.andi %ge3A_319, %lt3A_322 : vector<16xi1>
      %sub3A_324 = vector.broadcast %mul3A_190 : i32 to vector<16xi32>
      %sub3A_325 = arith.subi %get3A_317, %sub3A_324 : vector<16xi32>
      %swap3A_326 = arith.index_cast %while3A_313 : i32 to index
      %swap3A_327 = tpu.vector_load %arg13[%swap3A_326] masked %and3A_323 {strides = array<i32>} : memref<10160xi32, #tpu.memory_space<vmem>>, vector<16xi32>, vector<16xi1>
      tpu.vector_store %arg13[%swap3A_326], %sub3A_325 masked %and3A_323 {strides = array<i32>} : memref<10160xi32, #tpu.memory_space<vmem>>, vector<16xi32>, vector<16xi1>
      %convert_element_type3A_328 = arith.extui %and3A_323 : vector<16xi1> to vector<16xi32>
      %reduce_sum3A_329 = arith.constant true
      %reduce_sum3A_330 = vector.broadcast %reduce_sum3A_329 : i1 to vector<16xi1>
      %reduce_sum3A_331 = tpu.scan <sum>, %convert_element_type3A_328 masked %reduce_sum3A_330 : vector<16xi32>, vector<16xi1> -> vector<16xi32>
      %reduce_sum3A_332 = vector.extract %reduce_sum3A_331[15] : i32 from vector<16xi32>
      %add3A_333 = arith.addi %while3A_313, %reduce_sum3A_332 : i32
      scf.yield %add3A_333 : i32
    }
    %broadcast_in_dim3A_216 = arith.constant 1048576 : i32
    %broadcast_in_dim3A_217 = vector.broadcast %broadcast_in_dim3A_216 : i32 to vector<16xi32>
    %add3A_218 = arith.constant 0 : i32
    %add3A_219 = arith.addi %while3A_215, %add3A_218 : i32
    %swap3A_220 = arith.index_cast %add3A_219 : i32 to index
    %swap3A_221 = tpu.vector_load %arg13[%swap3A_220] {strides = array<i32>} : memref<10160xi32, #tpu.memory_space<vmem>>, vector<16xi32>,
    tpu.vector_store %arg13[%swap3A_220], %broadcast_in_dim3A_217 {strides = array<i32>} : memref<10160xi32, #tpu.memory_space<vmem>>, vector<16xi32>,
    %add3A_222 = arith.constant 16 : i32
    %add3A_223 = arith.addi %while3A_215, %add3A_222 : i32
    %swap3A_224 = arith.index_cast %add3A_223 : i32 to index
    %swap3A_225 = tpu.vector_load %arg13[%swap3A_224] {strides = array<i32>} : memref<10160xi32, #tpu.memory_space<vmem>>, vector<16xi32>,
    tpu.vector_store %arg13[%swap3A_224], %broadcast_in_dim3A_217 {strides = array<i32>} : memref<10160xi32, #tpu.memory_space<vmem>>, vector<16xi32>,
    %add3A_226 = arith.constant 32 : i32
    %add3A_227 = arith.addi %while3A_215, %add3A_226 : i32
    %swap3A_228 = arith.index_cast %add3A_227 : i32 to index
    %swap3A_229 = tpu.vector_load %arg13[%swap3A_228] {strides = array<i32>} : memref<10160xi32, #tpu.memory_space<vmem>>, vector<16xi32>,
    tpu.vector_store %arg13[%swap3A_228], %broadcast_in_dim3A_217 {strides = array<i32>} : memref<10160xi32, #tpu.memory_space<vmem>>, vector<16xi32>,
    %add3A_230 = arith.constant 48 : i32
    %add3A_231 = arith.addi %while3A_215, %add3A_230 : i32
    %swap3A_232 = arith.index_cast %add3A_231 : i32 to index
    %swap3A_233 = tpu.vector_load %arg13[%swap3A_232] {strides = array<i32>} : memref<10160xi32, #tpu.memory_space<vmem>>, vector<16xi32>,
    tpu.vector_store %arg13[%swap3A_232], %broadcast_in_dim3A_217 {strides = array<i32>} : memref<10160xi32, #tpu.memory_space<vmem>>, vector<16xi32>,
    %add3A_234 = arith.constant 64 : i32
    %add3A_235 = arith.addi %while3A_215, %add3A_234 : i32
    %swap3A_236 = arith.index_cast %add3A_235 : i32 to index
    %swap3A_237 = tpu.vector_load %arg13[%swap3A_236] {strides = array<i32>} : memref<10160xi32, #tpu.memory_space<vmem>>, vector<16xi32>,
    tpu.vector_store %arg13[%swap3A_236], %broadcast_in_dim3A_217 {strides = array<i32>} : memref<10160xi32, #tpu.memory_space<vmem>>, vector<16xi32>,
    %add3A_238 = arith.constant 80 : i32
    %add3A_239 = arith.addi %while3A_215, %add3A_238 : i32
    %swap3A_240 = arith.index_cast %add3A_239 : i32 to index
    %swap3A_241 = tpu.vector_load %arg13[%swap3A_240] {strides = array<i32>} : memref<10160xi32, #tpu.memory_space<vmem>>, vector<16xi32>,
    tpu.vector_store %arg13[%swap3A_240], %broadcast_in_dim3A_217 {strides = array<i32>} : memref<10160xi32, #tpu.memory_space<vmem>>, vector<16xi32>,
    %add3A_242 = arith.constant 96 : i32
    %add3A_243 = arith.addi %while3A_215, %add3A_242 : i32
    %swap3A_244 = arith.index_cast %add3A_243 : i32 to index
    %swap3A_245 = tpu.vector_load %arg13[%swap3A_244] {strides = array<i32>} : memref<10160xi32, #tpu.memory_space<vmem>>, vector<16xi32>,
    tpu.vector_store %arg13[%swap3A_244], %broadcast_in_dim3A_217 {strides = array<i32>} : memref<10160xi32, #tpu.memory_space<vmem>>, vector<16xi32>,
    %add3A_246 = arith.constant 112 : i32
    %add3A_247 = arith.addi %while3A_215, %add3A_246 : i32
    %swap3A_248 = arith.index_cast %add3A_247 : i32 to index
    %swap3A_249 = tpu.vector_load %arg13[%swap3A_248] {strides = array<i32>} : memref<10160xi32, #tpu.memory_space<vmem>>, vector<16xi32>,
    tpu.vector_store %arg13[%swap3A_248], %broadcast_in_dim3A_217 {strides = array<i32>} : memref<10160xi32, #tpu.memory_space<vmem>>, vector<16xi32>,
    %add3A_250 = arith.constant 128 : i32
    %add3A_251 = arith.addi %while3A_215, %add3A_250 : i32
    %swap3A_252 = arith.index_cast %add3A_251 : i32 to index
    %swap3A_253 = tpu.vector_load %arg13[%swap3A_252] {strides = array<i32>} : memref<10160xi32, #tpu.memory_space<vmem>>, vector<16xi32>,
    tpu.vector_store %arg13[%swap3A_252], %broadcast_in_dim3A_217 {strides = array<i32>} : memref<10160xi32, #tpu.memory_space<vmem>>, vector<16xi32>,
    %scan3A_254 = arith.constant 0 : i32
    %scan3A_255 = arith.constant 0 : i32
    %scan3A_256 = arith.constant 32 : i32
    %scan3A_257 = arith.addi %scan3A_255, %scan3A_256 : i32
    %scan3A_258 = arith.constant 1 : i32
    %scan3A_259 = scf.for %scan3A_312 = %scan3A_255 to %scan3A_257 step %scan3A_258 iter_args(%scan3A_313 = %scan3A_254) -> (i32)  : i32 {
      %dma_wait3A_314 = tpu.memref_slice %arg18[%mul3A_194] : memref<1048584xf32, #tpu.memory_space<vmem_shared>> -> memref<2048xf32, #tpu.memory_space<vmem_shared>>
      %dma_wait3A_315 = tpu.memref_slice %arg18[%mul3A_194] : memref<1048584xf32, #tpu.memory_space<vmem_shared>> -> memref<2048xf32, #tpu.memory_space<vmem_shared>>
      tpu.wait_dma2 semaphore(%arg19 : memref<!tpu.dma_semaphore, #tpu.memory_space<semaphore_mem>>) src(%arg15 : memref<2048xf32, #tpu.memory_space<vmem>>) dst(%dma_wait3A_315 : memref<2048xf32, #tpu.memory_space<vmem_shared>>)
      %scan3A_316 = arith.constant 0 : i32
      scf.yield %scan3A_316 : i32
    }
    %scan3A_260 = arith.constant 32 : i32
    %barrier3A_261 = arith.constant 0 : index
    tpu.barrier barrier_id(%barrier3A_261)
    %add3A_262 = arith.constant 15 : i32
    %add3A_263 = arith.addi %while3A_215, %add3A_262 : i32
    %jit3A_264 = arith.constant 16 : i32
    %div3A_265 = arith.divsi %add3A_263, %jit3A_264 : i32
    %sign3A_266 = arith.constant 0 : i32
    %sign3A_267 = arith.cmpi sgt, %add3A_263, %sign3A_266 : i32
    %sign3A_268 = arith.extui %sign3A_267 : i1 to i32
    %sign3A_269 = arith.constant 0 : i32
    %sign3A_270 = arith.cmpi slt, %add3A_263, %sign3A_269 : i32
    %sign3A_271 = arith.extui %sign3A_270 : i1 to i32
    %sign3A_272 = arith.subi %sign3A_268, %sign3A_271 : i32
    %sign3A_273 = arith.constant 0 : i32
    %sign3A_274 = arith.cmpi sgt, %jit3A_264, %sign3A_273 : i32
    %sign3A_275 = arith.extui %sign3A_274 : i1 to i32
    %sign3A_276 = arith.constant 0 : i32
    %sign3A_277 = arith.cmpi slt, %jit3A_264, %sign3A_276 : i32
    %sign3A_278 = arith.extui %sign3A_277 : i1 to i32
    %sign3A_279 = arith.subi %sign3A_275, %sign3A_278 : i32
    %ne3A_280 = arith.cmpi ne, %sign3A_272, %sign3A_279 : i32
    %rem3A_281 = arith.remsi %add3A_263, %jit3A_264 : i32
    %ne3A_282 = arith.constant 0 : i32
    %ne3A_283 = arith.cmpi ne, %rem3A_281, %ne3A_282 : i32
    %and3A_284 = arith.andi %ne3A_280, %ne3A_283 : i1
    %sub3A_285 = arith.constant 1 : i32
    %sub3A_286 = arith.subi %div3A_265, %sub3A_285 : i32
    %select_n3A_287 = arith.select %and3A_284, %sub3A_286, %div3A_265 : i32
    %add3A_288 = arith.constant 8 : i32
    %add3A_289 = arith.addi %select_n3A_287, %add3A_288 : i32
    %while3A_290 = arith.constant 0 : i32
    %while3A_291 = arith.constant 0 : i32
    %while3A_292 = arith.subi %add3A_289, %while3A_290 : i32
    %while3A_293 = arith.addi %while3A_290, %while3A_292 : i32
    %while3A_294 = arith.constant 1 : i32
    %while3A_295 = arith.divsi %while3A_292, %while3A_294 : i32
    %while3A_296 = arith.muli %while3A_295, %while3A_294 : i32
    %while3A_297 = arith.addi %while3A_290, %while3A_296 : i32
    %while3A_298 = arith.constant 1 : i32
    %while3A_299 = scf.for %while3A_312 = %while3A_290 to %while3A_297 step %while3A_298 iter_args(%while3A_313 = %while3A_291) -> (i32)  : i32 {
      %mul3A_314 = arith.constant 16 : i32
      %mul3A_315 = arith.muli %while3A_312, %mul3A_314 : i32
      %get3A_316 = arith.index_cast %mul3A_315 : i32 to index
      %get3A_317 = tpu.vector_load %arg13[%get3A_316] {strides = array<i32>} : memref<10160xi32, #tpu.memory_space<vmem>>, vector<16xi32>,
      "tpu.region"() ({
        %run_scoped3A = tpu.sem_alloc : memref<!tpu.dma_semaphore, #tpu.memory_space<semaphore_mem>>
        %dma_start3A_319 = arith.constant 0 : i32
        %dma_start3A_320 = tpu.memref_slice %arg18[%dma_start3A_319] : memref<1048584xf32, #tpu.memory_space<vmem_shared>> -> memref<1048584xf32, #tpu.memory_space<vmem_shared>>
        tpu.enqueue_indirect_dma source(%arg14 : memref<16xf32, #tpu.memory_space<vmem>>) target(%dma_start3A_320 : memref<1048584xf32, #tpu.memory_space<vmem_shared>>) offsets(%get3A_317 : vector<16xi32>) semaphore(%run_scoped3A : memref<!tpu.dma_semaphore, #tpu.memory_space<semaphore_mem>>) {add = true}
        %dma_wait3A_321 = arith.constant 0 : i32
        %dma_wait3A_322 = tpu.memref_slice %arg18[%dma_wait3A_321] : memref<1048584xf32, #tpu.memory_space<vmem_shared>> -> memref<1048584xf32, #tpu.memory_space<vmem_shared>>
        tpu.wait_indirect_dma semaphore(%run_scoped3A : memref<!tpu.dma_semaphore, #tpu.memory_space<semaphore_mem>>) src(%arg14 : memref<16xf32, #tpu.memory_space<vmem>>) dst(%dma_wait3A_322 : memref<1048584xf32, #tpu.memory_space<vmem_shared>>)
        tpu.yield
      }) : () -> ()
      %while3A_318 = arith.constant 0 : i32
      scf.yield %while3A_318 : i32
    }
    %while3A_300 = arith.constant 1 : i32
    %while3A_301 = scf.for %while3A_312 = %while3A_297 to %while3A_293 step %while3A_300 iter_args(%while3A_313 = %while3A_299) -> (i32)  : i32 {
      %mul3A_314 = arith.constant 16 : i32
      %mul3A_315 = arith.muli %while3A_312, %mul3A_314 : i32
      %get3A_316 = arith.index_cast %mul3A_315 : i32 to index
      %get3A_317 = tpu.vector_load %arg13[%get3A_316] {strides = array<i32>} : memref<10160xi32, #tpu.memory_space<vmem>>, vector<16xi32>,
      "tpu.region"() ({
        %run_scoped3A = tpu.sem_alloc : memref<!tpu.dma_semaphore, #tpu.memory_space<semaphore_mem>>
        %dma_start3A_319 = arith.constant 0 : i32
        %dma_start3A_320 = tpu.memref_slice %arg18[%dma_start3A_319] : memref<1048584xf32, #tpu.memory_space<vmem_shared>> -> memref<1048584xf32, #tpu.memory_space<vmem_shared>>
        tpu.enqueue_indirect_dma source(%arg14 : memref<16xf32, #tpu.memory_space<vmem>>) target(%dma_start3A_320 : memref<1048584xf32, #tpu.memory_space<vmem_shared>>) offsets(%get3A_317 : vector<16xi32>) semaphore(%run_scoped3A : memref<!tpu.dma_semaphore, #tpu.memory_space<semaphore_mem>>) {add = true}
        %dma_wait3A_321 = arith.constant 0 : i32
        %dma_wait3A_322 = tpu.memref_slice %arg18[%dma_wait3A_321] : memref<1048584xf32, #tpu.memory_space<vmem_shared>> -> memref<1048584xf32, #tpu.memory_space<vmem_shared>>
        tpu.wait_indirect_dma semaphore(%run_scoped3A : memref<!tpu.dma_semaphore, #tpu.memory_space<semaphore_mem>>) src(%arg14 : memref<16xf32, #tpu.memory_space<vmem>>) dst(%dma_wait3A_322 : memref<1048584xf32, #tpu.memory_space<vmem_shared>>)
        tpu.yield
      }) : () -> ()
      %while3A_318 = arith.constant 0 : i32
      scf.yield %while3A_318 : i32
    }
    %barrier3A_302 = arith.constant 0 : index
    tpu.barrier barrier_id(%barrier3A_302)
    %mul3A_303 = arith.constant 65536 : i32
    %mul3A_304 = arith.muli %arg1, %mul3A_303 : i32
    %mul3A_305 = arith.constant 65536 : i32
    %mul3A_306 = arith.muli %arg1, %mul3A_305 : i32
    %add3A_307 = arith.addi %mul3A_190, %mul3A_306 : i32
    %dma_start3A_308 = tpu.memref_slice %arg7[%add3A_307] : memref<4194304xf32, #tpu.memory_space<hbm>> -> memref<65536xf32, #tpu.memory_space<hbm>>
    %dma_start3A_309 = tpu.memref_slice %arg18[%mul3A_304] : memref<1048584xf32, #tpu.memory_space<vmem_shared>> -> memref<65536xf32, #tpu.memory_space<vmem_shared>>
    tpu.enqueue_dma source(%dma_start3A_309 : memref<65536xf32, #tpu.memory_space<vmem_shared>>) target(%dma_start3A_308 : memref<65536xf32, #tpu.memory_space<hbm>>) target_semaphore(%arg21 : memref<!tpu.dma_semaphore, #tpu.memory_space<semaphore_mem>>)
    %dma_wait3A_310 = tpu.memref_slice %arg7[%add3A_307] : memref<4194304xf32, #tpu.memory_space<hbm>> -> memref<65536xf32, #tpu.memory_space<hbm>>
    %dma_wait3A_311 = tpu.memref_slice %arg18[%mul3A_304] : memref<1048584xf32, #tpu.memory_space<vmem_shared>> -> memref<65536xf32, #tpu.memory_space<vmem_shared>>
    tpu.wait_dma2 semaphore(%arg21 : memref<!tpu.dma_semaphore, #tpu.memory_space<semaphore_mem>>) src(%dma_wait3A_311 : memref<65536xf32, #tpu.memory_space<vmem_shared>>) dst(%dma_wait3A_310 : memref<65536xf32, #tpu.memory_space<hbm>>)
    return
  }
}

module attributes {stable_mosaic.version = 14 : i64} {
  func.func @gvae_tc_dense(%arg0: i32, %arg1: memref<512x2048xf32, #tpu.memory_space<vmem>>, %arg2: memref<2048x128xf32, #tpu.memory_space<vmem>>, %arg3: memref<128x128xf32, #tpu.memory_space<vmem>>, %arg4: memref<1x128xf32, #tpu.memory_space<vmem>>, %arg5: memref<128x128xf32, #tpu.memory_space<vmem>>, %arg6: memref<1x128xf32, #tpu.memory_space<vmem>>, %arg7: memref<128x128xf32, #tpu.memory_space<vmem>>, %arg8: memref<1x128xf32, #tpu.memory_space<vmem>>, %arg9: memref<128x128xf32, #tpu.memory_space<vmem>>, %arg10: memref<1x128xf32, #tpu.memory_space<vmem>>, %arg11: memref<128x128xf32, #tpu.memory_space<vmem>>, %arg12: memref<1x128xf32, #tpu.memory_space<vmem>>, %arg13: memref<128x128xf32, #tpu.memory_space<vmem>>, %arg14: memref<1x128xf32, #tpu.memory_space<vmem>>, %arg15: memref<128x128xf32, #tpu.memory_space<vmem>>, %arg16: memref<1x128xf32, #tpu.memory_space<vmem>>, %arg17: memref<512x2048xf32, #tpu.memory_space<vmem>>, %arg18: memref<512x128xf32, #tpu.memory_space<vmem>>, %arg19: memref<512x128xf32, #tpu.memory_space<vmem>>, %arg20: memref<512x128xf32, #tpu.memory_space<vmem>>, %arg21: memref<512x128xf32, #tpu.memory_space<vmem>>, %arg22: memref<512x2048xf32, #tpu.memory_space<vmem>>, %arg23: memref<2048x128xf32, #tpu.memory_space<vmem>>, %arg24: memref<2048x128xf32, #tpu.memory_space<vmem>>) attributes {dimension_semantics = [#tpu.dimension_semantics<arbitrary>], iteration_bounds = array<i64: 12>, scalar_prefetch = 0 : i64, scratch_operands = 2 : i64, tpu.core_type = #tpu.core_type<tc>, window_params = [{transform_indices = @transform_0, window_bounds = array<i64: 512, 2048>}, {pipeline_mode = #tpu.pipeline_mode<synchronous>, transform_indices = @transform_1, window_bounds = array<i64: 2048, 128>}, {pipeline_mode = #tpu.pipeline_mode<synchronous>, transform_indices = @transform_2, window_bounds = array<i64: 128, 128>}, {pipeline_mode = #tpu.pipeline_mode<synchronous>, transform_indices = @transform_3, window_bounds = array<i64: 1, 128>}, {pipeline_mode = #tpu.pipeline_mode<synchronous>, transform_indices = @transform_4, window_bounds = array<i64: 128, 128>}, {pipeline_mode = #tpu.pipeline_mode<synchronous>, transform_indices = @transform_5, window_bounds = array<i64: 1, 128>}, {pipeline_mode = #tpu.pipeline_mode<synchronous>, transform_indices = @transform_6, window_bounds = array<i64: 128, 128>}, {pipeline_mode = #tpu.pipeline_mode<synchronous>, transform_indices = @transform_7, window_bounds = array<i64: 1, 128>}, {pipeline_mode = #tpu.pipeline_mode<synchronous>, transform_indices = @transform_8, window_bounds = array<i64: 128, 128>}, {pipeline_mode = #tpu.pipeline_mode<synchronous>, transform_indices = @transform_9, window_bounds = array<i64: 1, 128>}, {pipeline_mode = #tpu.pipeline_mode<synchronous>, transform_indices = @transform_10, window_bounds = array<i64: 128, 128>}, {pipeline_mode = #tpu.pipeline_mode<synchronous>, transform_indices = @transform_11, window_bounds = array<i64: 1, 128>}, {pipeline_mode = #tpu.pipeline_mode<synchronous>, transform_indices = @transform_12, window_bounds = array<i64: 128, 128>}, {pipeline_mode = #tpu.pipeline_mode<synchronous>, transform_indices = @transform_13, window_bounds = array<i64: 1, 128>}, {pipeline_mode = #tpu.pipeline_mode<synchronous>, transform_indices = @transform_14, window_bounds = array<i64: 128, 128>}, {pipeline_mode = #tpu.pipeline_mode<synchronous>, transform_indices = @transform_15, window_bounds = array<i64: 1, 128>}, {transform_indices = @transform_16, window_bounds = array<i64: 512, 2048>}, {transform_indices = @transform_17, window_bounds = array<i64: 512, 128>}, {transform_indices = @transform_18, window_bounds = array<i64: 512, 128>}, {transform_indices = @transform_19, window_bounds = array<i64: 512, 128>}, {transform_indices = @transform_20, window_bounds = array<i64: 512, 128>}, {transform_indices = @transform_21, window_bounds = array<i64: 512, 2048>}]} {
    %lt3A = arith.constant 4 : i32
    %lt3A_0 = arith.cmpi slt, %arg0, %lt3A : i32
    %convert_element_type3A = arith.extui %lt3A_0 : i1 to i32
    %cond3A = arith.constant 0 : i32
    %cond3A_1 = arith.cmpi ne, %convert_element_type3A, %cond3A : i32
    scf.if %cond3A_1 {
      %get3A = arith.constant 0 : index
      %get3A_13 = arith.constant 0 : index
      %get3A_14 = vector.load %arg1[%get3A, %get3A_13] : memref<512x2048xf32, #tpu.memory_space<vmem>>, vector<512x2048xf32>
      %reduce_sum3A = arith.constant dense<0.000000e+00> : vector<512xf32>
      %reduce_sum3A_15 = vector.multi_reduction <add>, %get3A_14, %reduce_sum3A [1] : vector<512x2048xf32> to vector<512xf32>
      %broadcast_in_dim3A = vector.shape_cast %reduce_sum3A_15 : vector<512xf32> to vector<512x1xf32>
      %max3A = arith.constant 1.000000e+00 : f32
      %max3A_16 = vector.broadcast %max3A : f32 to vector<512x1xf32>
      %max3A_17 = arith.maximumf %broadcast_in_dim3A, %max3A_16 : vector<512x1xf32>
      %get3A_18 = arith.constant 0 : index
      %get3A_19 = arith.constant 0 : index
      %get3A_20 = vector.load %arg2[%get3A_18, %get3A_19] : memref<2048x128xf32, #tpu.memory_space<vmem>>, vector<2048x128xf32>
      %dot_general3A = arith.constant dense<0.000000e+00> : vector<512x128xf32>
      %dot_general3A_21 = tpu.matmul %get3A_14, %get3A_20, %dot_general3A {dimension_numbers = #tpu.dot_dimension_numbers<[1], [0], [0], [1], [0, 0, 1, 1], [], []>, transpose_lhs_hint = false} : vector<512x2048xf32>, vector<2048x128xf32>, vector<512x128xf32> -> vector<512x128xf32>
      %get3A_22 = arith.constant 0 : index
      %get3A_23 = arith.constant 0 : index
      %get3A_24 = vector.load %arg3[%get3A_22, %get3A_23] : memref<128x128xf32, #tpu.memory_space<vmem>>, vector<128x128xf32>
      %dot_general3A_25 = arith.constant dense<0.000000e+00> : vector<512x128xf32>
      %dot_general3A_26 = tpu.matmul %dot_general3A_21, %get3A_24, %dot_general3A_25 {dimension_numbers = #tpu.dot_dimension_numbers<[1], [0], [0], [1], [0, 0, 1, 1], [], []>, transpose_lhs_hint = false} : vector<512x128xf32>, vector<128x128xf32>, vector<512x128xf32> -> vector<512x128xf32>
      %div3A = vector.broadcast %max3A_17 : vector<512x1xf32> to vector<512x128xf32>
      %div3A_27 = arith.divf %dot_general3A_26, %div3A : vector<512x128xf32>
      %get3A_28 = arith.constant 0 : index
      %get3A_29 = arith.constant 0 : index
      %get3A_30 = vector.load %arg4[%get3A_28, %get3A_29] : memref<1x128xf32, #tpu.memory_space<vmem>>, vector<1x128xf32>
      %add3A = vector.broadcast %get3A_30 : vector<1x128xf32> to vector<512x128xf32>
      %add3A_31 = arith.addf %div3A_27, %add3A : vector<512x128xf32>
      %max3A_32 = arith.constant 0.000000e+00 : f32
      %max3A_33 = vector.broadcast %max3A_32 : f32 to vector<512x128xf32>
      %max3A_34 = arith.maximumf %add3A_31, %max3A_33 : vector<512x128xf32>
      %mul3A = arith.constant 512 : i32
      %mul3A_35 = arith.muli %arg0, %mul3A : i32
      %swap3A = arith.index_cast %mul3A_35 : i32 to index
      %swap3A_36 = arith.constant 0 : index
      %swap3A_37 = vector.load %arg23[%swap3A, %swap3A_36] : memref<2048x128xf32, #tpu.memory_space<vmem>>, vector<512x128xf32>
      tpu.vector_store %arg23[%swap3A, %swap3A_36], %max3A_34 {strides = array<i32>} : memref<2048x128xf32, #tpu.memory_space<vmem>>, vector<512x128xf32>,
      %min3A = arith.constant 1.000000e+00 : f32
      %min3A_38 = vector.broadcast %min3A : f32 to vector<512x2048xf32>
      %min3A_39 = arith.minimumf %get3A_14, %min3A_38 : vector<512x2048xf32>
      %swap3A_40 = arith.constant 0 : index
      %swap3A_41 = arith.constant 0 : index
      %swap3A_42 = vector.load %arg17[%swap3A_40, %swap3A_41] : memref<512x2048xf32, #tpu.memory_space<vmem>>, vector<512x2048xf32>
      tpu.vector_store %arg17[%swap3A_40, %swap3A_41], %min3A_39 {strides = array<i32>} : memref<512x2048xf32, #tpu.memory_space<vmem>>, vector<512x2048xf32>,
    } else {
    }
    %ge3A = arith.constant 4 : i32
    %ge3A_2 = arith.cmpi sge, %arg0, %ge3A : i32
    %lt3A_3 = arith.constant 8 : i32
    %lt3A_4 = arith.cmpi slt, %arg0, %lt3A_3 : i32
    %and3A = arith.andi %ge3A_2, %lt3A_4 : i1
    %convert_element_type3A_5 = arith.extui %and3A : i1 to i32
    %cond3A_6 = arith.constant 0 : i32
    %cond3A_7 = arith.cmpi ne, %convert_element_type3A_5, %cond3A_6 : i32
    scf.if %cond3A_7 {
      %get3A = arith.constant 0 : index
      %get3A_13 = arith.constant 0 : index
      %get3A_14 = vector.load %arg1[%get3A, %get3A_13] : memref<512x2048xf32, #tpu.memory_space<vmem>>, vector<512x2048xf32>
      %reduce_sum3A = arith.constant dense<0.000000e+00> : vector<512xf32>
      %reduce_sum3A_15 = vector.multi_reduction <add>, %get3A_14, %reduce_sum3A [1] : vector<512x2048xf32> to vector<512xf32>
      %broadcast_in_dim3A = vector.shape_cast %reduce_sum3A_15 : vector<512xf32> to vector<512x1xf32>
      %max3A = arith.constant 1.000000e+00 : f32
      %max3A_16 = vector.broadcast %max3A : f32 to vector<512x1xf32>
      %max3A_17 = arith.maximumf %broadcast_in_dim3A, %max3A_16 : vector<512x1xf32>
      %get3A_18 = arith.constant 0 : index
      %get3A_19 = arith.constant 0 : index
      %get3A_20 = vector.load %arg23[%get3A_18, %get3A_19] : memref<2048x128xf32, #tpu.memory_space<vmem>>, vector<2048x128xf32>
      %dot_general3A = arith.constant dense<0.000000e+00> : vector<512x128xf32>
      %dot_general3A_21 = tpu.matmul %get3A_14, %get3A_20, %dot_general3A {dimension_numbers = #tpu.dot_dimension_numbers<[1], [0], [0], [1], [0, 0, 1, 1], [], []>, transpose_lhs_hint = false} : vector<512x2048xf32>, vector<2048x128xf32>, vector<512x128xf32> -> vector<512x128xf32>
      %get3A_22 = arith.constant 0 : index
      %get3A_23 = arith.constant 0 : index
      %get3A_24 = vector.load %arg5[%get3A_22, %get3A_23] : memref<128x128xf32, #tpu.memory_space<vmem>>, vector<128x128xf32>
      %dot_general3A_25 = arith.constant dense<0.000000e+00> : vector<512x128xf32>
      %dot_general3A_26 = tpu.matmul %dot_general3A_21, %get3A_24, %dot_general3A_25 {dimension_numbers = #tpu.dot_dimension_numbers<[1], [0], [0], [1], [0, 0, 1, 1], [], []>, transpose_lhs_hint = false} : vector<512x128xf32>, vector<128x128xf32>, vector<512x128xf32> -> vector<512x128xf32>
      %div3A = vector.broadcast %max3A_17 : vector<512x1xf32> to vector<512x128xf32>
      %div3A_27 = arith.divf %dot_general3A_26, %div3A : vector<512x128xf32>
      %get3A_28 = arith.constant 0 : index
      %get3A_29 = arith.constant 0 : index
      %get3A_30 = vector.load %arg6[%get3A_28, %get3A_29] : memref<1x128xf32, #tpu.memory_space<vmem>>, vector<1x128xf32>
      %add3A = vector.broadcast %get3A_30 : vector<1x128xf32> to vector<512x128xf32>
      %add3A_31 = arith.addf %div3A_27, %add3A : vector<512x128xf32>
      %max3A_32 = arith.constant 0.000000e+00 : f32
      %max3A_33 = vector.broadcast %max3A_32 : f32 to vector<512x128xf32>
      %max3A_34 = arith.maximumf %add3A_31, %max3A_33 : vector<512x128xf32>
      %get3A_35 = arith.constant 0 : index
      %get3A_36 = arith.constant 0 : index
      %get3A_37 = vector.load %arg7[%get3A_35, %get3A_36] : memref<128x128xf32, #tpu.memory_space<vmem>>, vector<128x128xf32>
      %dot_general3A_38 = arith.constant dense<0.000000e+00> : vector<512x128xf32>
      %dot_general3A_39 = tpu.matmul %max3A_34, %get3A_37, %dot_general3A_38 {dimension_numbers = #tpu.dot_dimension_numbers<[1], [0], [0], [1], [0, 0, 1, 1], [], []>, transpose_lhs_hint = false} : vector<512x128xf32>, vector<128x128xf32>, vector<512x128xf32> -> vector<512x128xf32>
      %get3A_40 = arith.constant 0 : index
      %get3A_41 = arith.constant 0 : index
      %get3A_42 = vector.load %arg8[%get3A_40, %get3A_41] : memref<1x128xf32, #tpu.memory_space<vmem>>, vector<1x128xf32>
      %add3A_43 = vector.broadcast %get3A_42 : vector<1x128xf32> to vector<512x128xf32>
      %add3A_44 = arith.addf %dot_general3A_39, %add3A_43 : vector<512x128xf32>
      %sub3A = arith.constant 4 : i32
      %sub3A_45 = arith.subi %arg0, %sub3A : i32
      %mul3A = arith.constant 512 : i32
      %mul3A_46 = arith.muli %sub3A_45, %mul3A : i32
      %swap3A = arith.index_cast %mul3A_46 : i32 to index
      %swap3A_47 = arith.constant 0 : index
      %swap3A_48 = vector.load %arg24[%swap3A, %swap3A_47] : memref<2048x128xf32, #tpu.memory_space<vmem>>, vector<512x128xf32>
      tpu.vector_store %arg24[%swap3A, %swap3A_47], %add3A_44 {strides = array<i32>} : memref<2048x128xf32, #tpu.memory_space<vmem>>, vector<512x128xf32>,
      %swap3A_49 = arith.constant 0 : index
      %swap3A_50 = arith.constant 0 : index
      %swap3A_51 = vector.load %arg18[%swap3A_49, %swap3A_50] : memref<512x128xf32, #tpu.memory_space<vmem>>, vector<512x128xf32>
      tpu.vector_store %arg18[%swap3A_49, %swap3A_50], %add3A_44 {strides = array<i32>} : memref<512x128xf32, #tpu.memory_space<vmem>>, vector<512x128xf32>,
      %get3A_52 = arith.constant 0 : index
      %get3A_53 = arith.constant 0 : index
      %get3A_54 = vector.load %arg9[%get3A_52, %get3A_53] : memref<128x128xf32, #tpu.memory_space<vmem>>, vector<128x128xf32>
      %dot_general3A_55 = arith.constant dense<0.000000e+00> : vector<512x128xf32>
      %dot_general3A_56 = tpu.matmul %max3A_34, %get3A_54, %dot_general3A_55 {dimension_numbers = #tpu.dot_dimension_numbers<[1], [0], [0], [1], [0, 0, 1, 1], [], []>, transpose_lhs_hint = false} : vector<512x128xf32>, vector<128x128xf32>, vector<512x128xf32> -> vector<512x128xf32>
      %get3A_57 = arith.constant 0 : index
      %get3A_58 = arith.constant 0 : index
      %get3A_59 = vector.load %arg10[%get3A_57, %get3A_58] : memref<1x128xf32, #tpu.memory_space<vmem>>, vector<1x128xf32>
      %add3A_60 = vector.broadcast %get3A_59 : vector<1x128xf32> to vector<512x128xf32>
      %add3A_61 = arith.addf %dot_general3A_56, %add3A_60 : vector<512x128xf32>
      %swap3A_62 = arith.constant 0 : index
      %swap3A_63 = arith.constant 0 : index
      %swap3A_64 = vector.load %arg19[%swap3A_62, %swap3A_63] : memref<512x128xf32, #tpu.memory_space<vmem>>, vector<512x128xf32>
      tpu.vector_store %arg19[%swap3A_62, %swap3A_63], %add3A_61 {strides = array<i32>} : memref<512x128xf32, #tpu.memory_space<vmem>>, vector<512x128xf32>,
      %get3A_65 = arith.constant 0 : index
      %get3A_66 = arith.constant 0 : index
      %get3A_67 = vector.load %arg11[%get3A_65, %get3A_66] : memref<128x128xf32, #tpu.memory_space<vmem>>, vector<128x128xf32>
      %dot_general3A_68 = arith.constant dense<0.000000e+00> : vector<512x128xf32>
      %dot_general3A_69 = tpu.matmul %add3A_44, %get3A_67, %dot_general3A_68 {dimension_numbers = #tpu.dot_dimension_numbers<[1], [0], [0], [1], [0, 0, 1, 1], [], []>, transpose_lhs_hint = false} : vector<512x128xf32>, vector<128x128xf32>, vector<512x128xf32> -> vector<512x128xf32>
      %get3A_70 = arith.constant 0 : index
      %get3A_71 = arith.constant 0 : index
      %get3A_72 = vector.load %arg12[%get3A_70, %get3A_71] : memref<1x128xf32, #tpu.memory_space<vmem>>, vector<1x128xf32>
      %add3A_73 = vector.broadcast %get3A_72 : vector<1x128xf32> to vector<512x128xf32>
      %add3A_74 = arith.addf %dot_general3A_69, %add3A_73 : vector<512x128xf32>
      %swap3A_75 = arith.constant 0 : index
      %swap3A_76 = arith.constant 0 : index
      %swap3A_77 = vector.load %arg20[%swap3A_75, %swap3A_76] : memref<512x128xf32, #tpu.memory_space<vmem>>, vector<512x128xf32>
      tpu.vector_store %arg20[%swap3A_75, %swap3A_76], %add3A_74 {strides = array<i32>} : memref<512x128xf32, #tpu.memory_space<vmem>>, vector<512x128xf32>,
      %get3A_78 = arith.constant 0 : index
      %get3A_79 = arith.constant 0 : index
      %get3A_80 = vector.load %arg13[%get3A_78, %get3A_79] : memref<128x128xf32, #tpu.memory_space<vmem>>, vector<128x128xf32>
      %dot_general3A_81 = arith.constant dense<0.000000e+00> : vector<512x128xf32>
      %dot_general3A_82 = tpu.matmul %add3A_44, %get3A_80, %dot_general3A_81 {dimension_numbers = #tpu.dot_dimension_numbers<[1], [0], [0], [1], [0, 0, 1, 1], [], []>, transpose_lhs_hint = false} : vector<512x128xf32>, vector<128x128xf32>, vector<512x128xf32> -> vector<512x128xf32>
      %get3A_83 = arith.constant 0 : index
      %get3A_84 = arith.constant 0 : index
      %get3A_85 = vector.load %arg14[%get3A_83, %get3A_84] : memref<1x128xf32, #tpu.memory_space<vmem>>, vector<1x128xf32>
      %add3A_86 = vector.broadcast %get3A_85 : vector<1x128xf32> to vector<512x128xf32>
      %add3A_87 = arith.addf %dot_general3A_82, %add3A_86 : vector<512x128xf32>
      %max3A_88 = arith.constant 0.000000e+00 : f32
      %max3A_89 = vector.broadcast %max3A_88 : f32 to vector<512x128xf32>
      %max3A_90 = arith.maximumf %add3A_87, %max3A_89 : vector<512x128xf32>
      %get3A_91 = arith.constant 0 : index
      %get3A_92 = arith.constant 0 : index
      %get3A_93 = vector.load %arg15[%get3A_91, %get3A_92] : memref<128x128xf32, #tpu.memory_space<vmem>>, vector<128x128xf32>
      %dot_general3A_94 = arith.constant dense<0.000000e+00> : vector<512x128xf32>
      %dot_general3A_95 = tpu.matmul %max3A_90, %get3A_93, %dot_general3A_94 {dimension_numbers = #tpu.dot_dimension_numbers<[1], [0], [0], [1], [0, 0, 1, 1], [], []>, transpose_lhs_hint = false} : vector<512x128xf32>, vector<128x128xf32>, vector<512x128xf32> -> vector<512x128xf32>
      %get3A_96 = arith.constant 0 : index
      %get3A_97 = arith.constant 0 : index
      %get3A_98 = vector.load %arg16[%get3A_96, %get3A_97] : memref<1x128xf32, #tpu.memory_space<vmem>>, vector<1x128xf32>
      %add3A_99 = vector.broadcast %get3A_98 : vector<1x128xf32> to vector<512x128xf32>
      %add3A_100 = arith.addf %dot_general3A_95, %add3A_99 : vector<512x128xf32>
      %swap3A_101 = arith.constant 0 : index
      %swap3A_102 = arith.constant 0 : index
      %swap3A_103 = vector.load %arg21[%swap3A_101, %swap3A_102] : memref<512x128xf32, #tpu.memory_space<vmem>>, vector<512x128xf32>
      tpu.vector_store %arg21[%swap3A_101, %swap3A_102], %add3A_100 {strides = array<i32>} : memref<512x128xf32, #tpu.memory_space<vmem>>, vector<512x128xf32>,
    } else {
    }
    %ge3A_8 = arith.constant 8 : i32
    %ge3A_9 = arith.cmpi sge, %arg0, %ge3A_8 : i32
    %convert_element_type3A_10 = arith.extui %ge3A_9 : i1 to i32
    %cond3A_11 = arith.constant 0 : i32
    %cond3A_12 = arith.cmpi ne, %convert_element_type3A_10, %cond3A_11 : i32
    scf.if %cond3A_12 {
      %sub3A = arith.constant 8 : i32
      %sub3A_13 = arith.subi %arg0, %sub3A : i32
      %mul3A = arith.constant 512 : i32
      %mul3A_14 = arith.muli %sub3A_13, %mul3A : i32
      %get3A = arith.index_cast %mul3A_14 : i32 to index
      %get3A_15 = arith.constant 0 : index
      %get3A_16 = vector.load %arg24[%get3A, %get3A_15] : memref<2048x128xf32, #tpu.memory_space<vmem>>, vector<512x128xf32>
      %get3A_17 = arith.constant 0 : index
      %get3A_18 = arith.constant 0 : index
      %get3A_19 = vector.load %arg24[%get3A_17, %get3A_18] : memref<2048x128xf32, #tpu.memory_space<vmem>>, vector<2048x128xf32>
      %dot_general3A = arith.constant dense<0.000000e+00> : vector<512x2048xf32>
      %dot_general3A_20 = tpu.matmul %get3A_16, %get3A_19, %dot_general3A {dimension_numbers = #tpu.dot_dimension_numbers<[1], [1], [0], [0], [0, 0, 1, 0], [], []>, transpose_lhs_hint = false} : vector<512x128xf32>, vector<2048x128xf32>, vector<512x2048xf32> -> vector<512x2048xf32>
      %swap3A = arith.constant 0 : index
      %swap3A_21 = arith.constant 0 : index
      %swap3A_22 = vector.load %arg22[%swap3A, %swap3A_21] : memref<512x2048xf32, #tpu.memory_space<vmem>>, vector<512x2048xf32>
      tpu.vector_store %arg22[%swap3A, %swap3A_21], %dot_general3A_20 {strides = array<i32>} : memref<512x2048xf32, #tpu.memory_space<vmem>>, vector<512x2048xf32>,
    } else {
    }
    return
  }
  func.func @transform_0(%arg0: i32) -> (i32, i32) {
    %lt3A = arith.constant 8 : i32
    %lt3A_0 = arith.cmpi slt, %arg0, %lt3A : i32
    %jit3A = arith.constant 4 : i32
    %eq3A = arith.constant 0 : i32
    %eq3A_1 = arith.cmpi eq, %jit3A, %eq3A : i32
    %jit3A_2 = arith.constant 1 : i32
    %select_n3A = arith.select %eq3A_1, %jit3A_2, %jit3A : i32
    %rem3A = arith.remsi %arg0, %select_n3A : i32
    %ne3A = arith.constant 0 : i32
    %ne3A_3 = arith.cmpi ne, %rem3A, %ne3A : i32
    %lt3A_4 = arith.constant 0 : i32
    %lt3A_5 = arith.cmpi slt, %rem3A, %lt3A_4 : i32
    %lt3A_6 = arith.constant 0 : i32
    %lt3A_7 = arith.cmpi slt, %select_n3A, %lt3A_6 : i32
    %ne3A_8 = arith.xori %lt3A_5, %lt3A_7 : i1
    %and3A = arith.andi %ne3A_8, %ne3A_3 : i1
    %add3A = arith.addi %rem3A, %select_n3A : i32
    %select_n3A_9 = arith.select %and3A, %add3A, %rem3A : i32
    %jit3A_10 = arith.constant 3 : i32
    %select_n3A_11 = arith.select %lt3A_0, %select_n3A_9, %jit3A_10 : i32
    %c0_i32 = arith.constant 0 : i32
    %c0_i32_12 = arith.constant 0 : i32
    return %select_n3A_11, %c0_i32 : i32, i32
  }
  func.func @transform_1(%arg0: i32) -> (i32, i32) {
    %c0_i32 = arith.constant 0 : i32
    %c0_i32_0 = arith.constant 0 : i32
    %c0_i32_1 = arith.constant 0 : i32
    return %c0_i32, %c0_i32_0 : i32, i32
  }
  func.func @transform_2(%arg0: i32) -> (i32, i32) {
    %c0_i32 = arith.constant 0 : i32
    %c0_i32_0 = arith.constant 0 : i32
    %c0_i32_1 = arith.constant 0 : i32
    return %c0_i32, %c0_i32_0 : i32, i32
  }
  func.func @transform_3(%arg0: i32) -> (i32, i32) {
    %c0_i32 = arith.constant 0 : i32
    %c0_i32_0 = arith.constant 0 : i32
    %c0_i32_1 = arith.constant 0 : i32
    return %c0_i32, %c0_i32_0 : i32, i32
  }
  func.func @transform_4(%arg0: i32) -> (i32, i32) {
    %c0_i32 = arith.constant 0 : i32
    %c0_i32_0 = arith.constant 0 : i32
    %c0_i32_1 = arith.constant 0 : i32
    return %c0_i32, %c0_i32_0 : i32, i32
  }
  func.func @transform_5(%arg0: i32) -> (i32, i32) {
    %c0_i32 = arith.constant 0 : i32
    %c0_i32_0 = arith.constant 0 : i32
    %c0_i32_1 = arith.constant 0 : i32
    return %c0_i32, %c0_i32_0 : i32, i32
  }
  func.func @transform_6(%arg0: i32) -> (i32, i32) {
    %c0_i32 = arith.constant 0 : i32
    %c0_i32_0 = arith.constant 0 : i32
    %c0_i32_1 = arith.constant 0 : i32
    return %c0_i32, %c0_i32_0 : i32, i32
  }
  func.func @transform_7(%arg0: i32) -> (i32, i32) {
    %c0_i32 = arith.constant 0 : i32
    %c0_i32_0 = arith.constant 0 : i32
    %c0_i32_1 = arith.constant 0 : i32
    return %c0_i32, %c0_i32_0 : i32, i32
  }
  func.func @transform_8(%arg0: i32) -> (i32, i32) {
    %c0_i32 = arith.constant 0 : i32
    %c0_i32_0 = arith.constant 0 : i32
    %c0_i32_1 = arith.constant 0 : i32
    return %c0_i32, %c0_i32_0 : i32, i32
  }
  func.func @transform_9(%arg0: i32) -> (i32, i32) {
    %c0_i32 = arith.constant 0 : i32
    %c0_i32_0 = arith.constant 0 : i32
    %c0_i32_1 = arith.constant 0 : i32
    return %c0_i32, %c0_i32_0 : i32, i32
  }
  func.func @transform_10(%arg0: i32) -> (i32, i32) {
    %c0_i32 = arith.constant 0 : i32
    %c0_i32_0 = arith.constant 0 : i32
    %c0_i32_1 = arith.constant 0 : i32
    return %c0_i32, %c0_i32_0 : i32, i32
  }
  func.func @transform_11(%arg0: i32) -> (i32, i32) {
    %c0_i32 = arith.constant 0 : i32
    %c0_i32_0 = arith.constant 0 : i32
    %c0_i32_1 = arith.constant 0 : i32
    return %c0_i32, %c0_i32_0 : i32, i32
  }
  func.func @transform_12(%arg0: i32) -> (i32, i32) {
    %c0_i32 = arith.constant 0 : i32
    %c0_i32_0 = arith.constant 0 : i32
    %c0_i32_1 = arith.constant 0 : i32
    return %c0_i32, %c0_i32_0 : i32, i32
  }
  func.func @transform_13(%arg0: i32) -> (i32, i32) {
    %c0_i32 = arith.constant 0 : i32
    %c0_i32_0 = arith.constant 0 : i32
    %c0_i32_1 = arith.constant 0 : i32
    return %c0_i32, %c0_i32_0 : i32, i32
  }
  func.func @transform_14(%arg0: i32) -> (i32, i32) {
    %c0_i32 = arith.constant 0 : i32
    %c0_i32_0 = arith.constant 0 : i32
    %c0_i32_1 = arith.constant 0 : i32
    return %c0_i32, %c0_i32_0 : i32, i32
  }
  func.func @transform_15(%arg0: i32) -> (i32, i32) {
    %c0_i32 = arith.constant 0 : i32
    %c0_i32_0 = arith.constant 0 : i32
    %c0_i32_1 = arith.constant 0 : i32
    return %c0_i32, %c0_i32_0 : i32, i32
  }
  func.func @transform_16(%arg0: i32) -> (i32, i32) {
    %min3A = arith.constant 3 : i32
    %min3A_0 = arith.minsi %arg0, %min3A : i32
    %c0_i32 = arith.constant 0 : i32
    %c0_i32_1 = arith.constant 0 : i32
    return %min3A_0, %c0_i32 : i32, i32
  }
  func.func @transform_17(%arg0: i32) -> (i32, i32) {
    %sub3A = arith.constant 4 : i32
    %sub3A_0 = arith.subi %arg0, %sub3A : i32
    %jit3A = arith.constant 0 : i32
    %jit3A_1 = arith.constant 3 : i32
    %max3A = arith.maxsi %jit3A, %sub3A_0 : i32
    %min3A = arith.minsi %jit3A_1, %max3A : i32
    %c0_i32 = arith.constant 0 : i32
    %c0_i32_2 = arith.constant 0 : i32
    return %min3A, %c0_i32 : i32, i32
  }
  func.func @transform_18(%arg0: i32) -> (i32, i32) {
    %sub3A = arith.constant 4 : i32
    %sub3A_0 = arith.subi %arg0, %sub3A : i32
    %jit3A = arith.constant 0 : i32
    %jit3A_1 = arith.constant 3 : i32
    %max3A = arith.maxsi %jit3A, %sub3A_0 : i32
    %min3A = arith.minsi %jit3A_1, %max3A : i32
    %c0_i32 = arith.constant 0 : i32
    %c0_i32_2 = arith.constant 0 : i32
    return %min3A, %c0_i32 : i32, i32
  }
  func.func @transform_19(%arg0: i32) -> (i32, i32) {
    %sub3A = arith.constant 4 : i32
    %sub3A_0 = arith.subi %arg0, %sub3A : i32
    %jit3A = arith.constant 0 : i32
    %jit3A_1 = arith.constant 3 : i32
    %max3A = arith.maxsi %jit3A, %sub3A_0 : i32
    %min3A = arith.minsi %jit3A_1, %max3A : i32
    %c0_i32 = arith.constant 0 : i32
    %c0_i32_2 = arith.constant 0 : i32
    return %min3A, %c0_i32 : i32, i32
  }
  func.func @transform_20(%arg0: i32) -> (i32, i32) {
    %sub3A = arith.constant 4 : i32
    %sub3A_0 = arith.subi %arg0, %sub3A : i32
    %jit3A = arith.constant 0 : i32
    %jit3A_1 = arith.constant 3 : i32
    %max3A = arith.maxsi %jit3A, %sub3A_0 : i32
    %min3A = arith.minsi %jit3A_1, %max3A : i32
    %c0_i32 = arith.constant 0 : i32
    %c0_i32_2 = arith.constant 0 : i32
    return %min3A, %c0_i32 : i32, i32
  }
  func.func @transform_21(%arg0: i32) -> (i32, i32) {
    %sub3A = arith.constant 8 : i32
    %sub3A_0 = arith.subi %arg0, %sub3A : i32
    %jit3A = arith.constant 0 : i32
    %jit3A_1 = arith.constant 3 : i32
    %max3A = arith.maxsi %jit3A, %sub3A_0 : i32
    %min3A = arith.minsi %jit3A_1, %max3A : i32
    %c0_i32 = arith.constant 0 : i32
    %c0_i32_2 = arith.constant 0 : i32
    return %min3A, %c0_i32 : i32, i32
  }
}

</mosaic_0001>

<sc_bundles>
// kernel: gvae_sc_build.3.cloned.1.call-start
scs
__scs_entry_jumppad:
0x0: {  	(pc) =	sbr.rel $0x88, $3  }
0x1: {  	(tag) =	ssettag $0x0;
	lr =	simm.s32 $0x1  }
0x2: {  	[smem:$0x3F90] =	sst lr;
	_ =	strace $0xD0000000  }
0x3: {  	_ = 	snop  }
0x4: {  	_ = 	snop  }
0x5: {  	_ = 	snop  }
0x6: {  	_ = 	snop  }
0x7: {  	_ = 	snop  }
__scs_overlays_trampoline_lowered:
0x8: {  	[smem:$0x3F9F] =	sst s0  }
0x9: {  	[smem:$0x3FA0] =	sst s1  }
0xa: {  	[smem:$0x3FA1] =	sst s2  }
0xb: {  	[smem:$0x3FA2] =	sst s3  }
0xc: {  	[smem:$0x3FA3] =	sst s4  }
0xd: {  	[smem:$0x3FA4] =	sst s5  }
0xe: {  	[smem:$0x3FA5] =	sst s6  }
0xf: {  	[smem:$0x3FA6] =	sst s7  }
0x10: {  	[smem:$0x3FA7] =	sst s8  }
0x11: {  	[smem:$0x3FA8] =	sst s9;
	s0 =	simm.s32 @!p0 $0x0  }
0x12: {  	s1 =	sld [smem:$0x3F8E];
	s0 =	simm.s32 @p0 $0x1  }
0x13: {  	[smem:$0x3FA9] =	sst s0;
	s0 =	simm.s32 @!p1 $0x0  }
0x14: {  	s2 =	sld [smem:$0x3F8D];
	s0 =	simm.s32 @p1 $0x1  }
0x15: {  	[smem:$0x3FAA] =	sst s0;
	s0 =	simm.s32 @!p2 $0x0  }
0x16: {  	s3 =	sld [smem:$0x3FDB];
	s0 =	simm.s32 @p2 $0x1  }
0x17: {  	s4 =	simm.s32 $0x1BF5;
	[smem:$0x3FAC] =	sst s0  }
0x18: {  	s0 =	sld [smem:$0x3F8F];
	_ =	swait.ge [sflag:s4], $0x0  }
0x19: {  	s7 =	sld [smem:$0x3F90]  }
0x1a: {  	s8 =	sadd.s32 $0xFFFFE003, lr  }
0x1b: {  	s9 =	sadd.s32 $0xFFFFFEF7, lr;
	s5 =	simm.s32 $0xFFFFFFFF;
	p2 =	slt.u32 s8, $0xFFFFF086  }
0x1c: {  	p1 =	slt.u32 s9, $0xF7A;
	s5 =	simm.s32 @!p2 $0x0  }
0x1d: {  	s5 =	simm.s32 @p1 $0x1;
	p0 =	seq.s32 s7, s2  }
0x1e: {  	s7 =	smul.u32 @!p0 $0xF7A, s2;
	p2 =	seq.s32 @!p0 s5, $0x0  }
0x1f: {  	s9 =	smul.u32 $0xF7A, s1;
	s8 =	simm.s32 @!p0 $0x1BF5;
	p2 =	por !p2, p0  }
0x20: {  	[sflag:s8] =	ssyncset.s32 @!p0 $0xFFFFF086;
	s6 =	sadd.s32 @!p0 s3, s7;
	s7 =	simm.s32 @!p0 $0x108  }
0x21: {  	s3 =	sadd.s32 s3, s9;
	s6 =	sadd.s32 @!p0 $0x88, s6;
	s7 =	simm.s32 @p2 $0x1082  }
0x22: {  	[simem:s7], [sflag:s8] =	dma.local @!p0 [hbm:s6], $0xF7A  }
0x23: {  	s9 =	sor.u32 $0xD0000000, s2;
	s6 =	simm.s32 $0x108;
	_ =	swait.ge @!p0 [sflag:s8], $0x0  }
0x24: {  	s3 =	sadd.s32 $0x88, s3;
	s6 =	simm.s32 @!p1 $0x1082;
	[sflag:s4] =	ssyncset.s32 $0xFFFFF086  }
0x25: {  	[simem:s6], [sflag:s4] =	dma.local [hbm:s3], $0xF7A  }
0x26: {  	[smem:$0x3F90] =	sst s1;
	(tag) =	ssettag s2;
	_ =	strace s9  }
0x27: {  	s1 =	sld [smem:$0x3FA0]  }
0x28: {  	s2 =	sld [smem:$0x3FA1]  }
0x29: {  	s4 =	sld [smem:$0x3FA3]  }
0x2a: {  	p0 =	seq.s32 s5, $0x0;
	s5 =	sld [smem:$0x3FA4]  }
0x2b: {  	s6 =	sld [smem:$0x3FA5]  }
0x2c: {  	s7 =	sld [smem:$0x3FA6]  }
0x2d: {  	s3 =	simm.s32 $0x108;
	s8 =	sld [smem:$0x3FA7]  }
0x2e: {  	s3 =	simm.s32 @!p0 $0x1082;
	s9 =	sld [smem:$0x3FA8]  }
0x2f: {  	lr =	sadd.s32 s0, s3;
	s0 =	sld [smem:$0x3F9F]  }
0x30: {  	s3 =	sld [smem:$0x3FA2]  }
0x31: {  	[smem:$0x3FAB] =	sst s10  }
0x32: {  	s10 =	sld [smem:$0x3FA9];
	_ =	sdelay $0x3  }
0x33: {  	p0 =	seq.s32 s10, $0x1;
	s10 =	sld [smem:$0x3FAB];
	_ =	sdelay $0x3  }
0x34: {  	[smem:$0x3FAB] =	sst s10  }
0x35: {  	s10 =	sld [smem:$0x3FAA];
	_ =	sdelay $0x3  }
0x36: {  	p1 =	seq.s32 s10, $0x1;
	s10 =	sld [smem:$0x3FAB];
	_ =	sdelay $0x3  }
0x37: {  	[smem:$0x3FAB] =	sst s10  }
0x38: {  	s10 =	sld [smem:$0x3FAC]  }
0x39: {  	_ = 	snop;
	(pc) =	sbr.ind lr, $3  }
0x3a: {  	_ = 	snop  }
0x3b: {  	_ = 	snop  }
0x3c: {  	p2 =	seq.s32 s10, $0x1;
	s10 =	sld [smem:$0x3FAB]  }
0x3d: {  	_ =	shalt  }
0x3e: {  	_ =	shalt  }
0x3f: {  	_ =	shalt  }
0x40: {  	_ =	shalt  }
0x41: {  	_ =	shalt  }
0x42: {  	_ =	shalt  }
0x43: {  	_ =	shalt  }
0x44: {  	_ =	shalt  }
0x45: {  	_ =	shalt  }
0x46: {  	_ =	shalt  }
0x47: {  	_ =	shalt  }
0x48: {  	_ =	shalt  }
0x49: {  	_ =	shalt  }
0x4a: {  	_ =	shalt  }
0x4b: {  	_ =	shalt  }
0x4c: {  	_ =	shalt  }
0x4d: {  	_ =	shalt  }
0x4e: {  	_ =	shalt  }
0x4f: {  	_ =	shalt  }
0x50: {  	_ =	shalt  }
0x51: {  	_ =	shalt  }
0x52: {  	_ =	shalt  }
0x53: {  	_ =	shalt  }
0x54: {  	_ =	shalt  }
0x55: {  	_ =	shalt  }
0x56: {  	_ =	shalt  }
0x57: {  	_ =	shalt  }
0x58: {  	_ =	shalt  }
0x59: {  	_ =	shalt  }
0x5a: {  	_ =	shalt  }
0x5b: {  	_ =	shalt  }
0x5c: {  	_ =	shalt  }
0x5d: {  	_ =	shalt  }
0x5e: {  	_ =	shalt  }
0x5f: {  	_ =	shalt  }
0x60: {  	_ =	shalt  }
0x61: {  	_ =	shalt  }
0x62: {  	_ =	shalt  }
0x63: {  	_ =	shalt  }
0x64: {  	_ =	shalt  }
0x65: {  	_ =	shalt  }
0x66: {  	_ =	shalt  }
0x67: {  	_ =	shalt  }
0x68: {  	_ =	shalt  }
0x69: {  	_ =	shalt  }
0x6a: {  	_ =	shalt  }
0x6b: {  	_ =	shalt  }
0x6c: {  	_ =	shalt  }
0x6d: {  	_ =	shalt  }
0x6e: {  	_ =	shalt  }
0x6f: {  	_ =	shalt  }
0x70: {  	_ =	shalt  }
0x71: {  	_ =	shalt  }
0x72: {  	_ =	shalt  }
0x73: {  	_ =	shalt  }
0x74: {  	_ =	shalt  }
0x75: {  	_ =	shalt  }
0x76: {  	_ =	shalt  }
0x77: {  	_ =	shalt  }
0x78: {  	_ =	shalt  }
0x79: {  	_ =	shalt  }
0x7a: {  	_ =	shalt  }
0x7b: {  	_ =	shalt  }
0x7c: {  	_ =	shalt  }
0x7d: {  	_ =	shalt  }
0x7e: {  	_ =	shalt  }
0x7f: {  	_ =	shalt  }
0x80: {  	_ =	shalt  }
0x81: {  	_ =	shalt  }
0x82: {  	_ =	shalt  }
0x83: {  	_ =	shalt  }
0x84: {  	_ =	shalt  }
0x85: {  	_ =	shalt  }
0x86: {  	_ =	shalt  }
0x87: {  	_ =	shalt  }
.Lfunc_end0:
.L_simem_size_0:
called_computation_lowered:
.L_overlay_start_0:
0x88: {  	s2 =	sld [smem:$0x3FD9]  }
0x89: {  	s3 =	sld [smem:$0x3FFE];
	_ =	sdelay $0x1  }
0x8a: {  	s1 =	srdreg.scid  }
0x8b: {  	s0 =	sand.u32 $0x1, s1  }
0x8c: {  	s15 =	sshll.u32 s0, $0xA;
	s2 =	sadd.s32 s3, s2  }
0x8d: {  	s2 =	sadd.s32 s2, s15  }
0x8e: {  	[smem:$0x3FB7] =	sst s2  }
0x8f: {  	_ = 	snop  }
0x90: {  	s2 =	sld [smem:$0x3FD0];
	_ =	sdelay $0x1  }
0x91: {  	s16 =	sld [smem:$0x3FC9]  }
0x92: {  	s5 =	simm.s32 $0xA;
	s6 =	simm.s32 $0x10;
	s4 =	sld [smem:$0x3FC7]  }
0x93: {  	[smem:s6], [sflag:s5] =	dma.local [hbm:s2], $0x1  }
0x94: {  	_ =	swait.eq [sflag:s5], $0x1  }
0x95: {  	s17 =	sld [smem:$0x10]  }
0x96: {  	s18 =	sld [smem:$0x11]  }
0x97: {  	s7 =	sld [smem:$0x12];
	[sflag:s5] =	ssyncset.done $0x0  }
0x98: {  	s8 =	sld [smem:$0x13];
	[sflag:s5] =	ssyncadd.s32 $0xFFFFFFFF  }
0x99: {  	s19 =	sld [smem:$0x14];
	(tm) =	ssettm $0x1  }
0x9a: {  	s9 =	sld [smem:$0x3FFB];
	_ =	sdelay $0x3  }
0x9b: {  	_ =	strace s9  }
0x9c: {  	s9 =	sld [smem:$0x3FFC];
	_ =	sdelay $0x3  }
0x9d: {  	_ =	strace s9  }
0x9e: {  	s9 =	sld [smem:$0x3FFD];
	_ =	sdelay $0x3  }
0x9f: {  	_ =	strace s9  }
0xa0: {  	_ =	strace $0x8FFFFFFF  }
0xa1: {  	s20 =	sld [smem:$0x3FDB];
	_ =	sdelay $0x1  }
0xa2: {  	s10 =	simm.s32 $_scs_section_size  }
0xa3: {  	s11 =	simm.s32 $_size__tile_overlayer_lowered;
	s12 =	simm.s32 $_tile_overlayer_lowered  }
0xa4: {  	s23 =	simm.s32 $0x1BFF;
	s22 =	sshll.u32 s12, $0x1;
	s9 =	sadd.s32 s10, s20  }
0xa5: {  	s13 =	simm.s32 $0x0;
	s21 =	sshll.u32 s11, $0x1;
	s11 =	sadd.s32 s22, s9  }
0xa6: {  	[timem:s13], [sflag:s23] =	dma.local [hbm:s11], s21  }
0xa7: {  	_ =	swait.ge [sflag:s23], s21  }
0xa8: {  	s10 =	ssub.s32 $0x0, s21;
	[sflag:s23] =	ssyncset.done $0x0  }
0xa9: {  	[sflag:s23] =	ssyncadd.s32 s10;
	_ =	sdelay $0x1  }
0xaa: {  	s24 =	simm.s32 $0x1B8B  }
0xab: {  	_ =	swait.ge [sflag:s24], $0x1  }
0xac: {  	[sflag:s24] =	ssyncset.done $0x0  }
0xad: {  	s25 =	simm.s32 $0x1B8E;
	[sflag:s24] =	ssyncadd.s32 $0xFFFFFFFF  }
0xae: {  	s26 =	simm.s32 $execute0_lowered;
	[smem:$0x3FD2] =	sst s25  }
0xaf: {  	s10 =	sshll.u32 s26, $0x1;
	_ =	strace $0x80000046;
	[dreg:$0x1] =	wrdreg $0xFFFFFFFF  }
0xb0: {  	s28 =	simm.s32 $_size_execute0_lowered;
	s9 =	sadd.s32 s9, s10;
	[dreg:$0x0] =	wrdreg $0x0  }
0xb1: {  	s10 =	sshll.u32 s28, $0x1;
	[dreg:$0x2] =	wrdreg s9  }
0xb2: {  	[dreg:$0x3] =	wrdreg s10  }
0xb3: {  	[dreg:$0x4] =	wrdreg $0xC0  }
0xb4: {  	_ =	task [dreg:s13], $0x5FFFF  }
0xb5: {  	[dreg:$0x1] =	wrdreg $0xFFFFFFFF  }
0xb6: {  	[dreg:$0x0] =	wrdreg $0x60  }
0xb7: {  	[dreg:$0x2] =	wrdreg s18  }
0xb8: {  	[dreg:$0x3] =	wrdreg s8  }
0xb9: {  	[dreg:$0x4] =	wrdreg s17  }
0xba: {  	[dreg:$0x5] =	wrdreg s4  }
0xbb: {  	[dreg:$0x6] =	wrdreg s16  }
0xbc: {  	[dreg:$0x7] =	wrdreg s7  }
0xbd: {  	[dreg:$0x8] =	wrdreg s19  }
0xbe: {  	[dreg:$0x9] =	wrdreg $0xEF000  }
0xbf: {  	[dreg:$0xa] =	wrdreg $0x9  }
0xc0: {  	_ =	task.clear_ibuf [dreg:s13], $0xBFFFF;
	_ =	strace $0x90000046  }
0xc1: {  	s29 =	simm.s32 $0x9;
	_ =	strace $0x80000048  }
0xc2: {  	_ =	swait.ge [sflag:s29], $0x1  }
0xc3: {  	[sflag:s29] =	ssyncadd.s32 $0xFFFFFFFF  }
0xc4: {  	_ =	strace $0x90000048  }
0xc5: {  	_ =	sfence  }
0xc6: {  	s30 =	sld [smem:$0x0];
	_ =	sdelay $0x2  }
0xc7: {  	s31 =	sshll.u32 s1, $0xD;
	s1 =	sshrl.u32 s1, $0x2  }
0xc8: {  	s3 =	sand.u32 $0x4000, s31;
	s1 =	sadd.s32 s1, s30  }
0xc9: {  	s0 =	sor.u32 s3, s0;
	s1 =	sshll.u32 s1, $0x11  }
0xca: {  	s0 =	sor.u32 s1, s0  }
0xcb: {  	s0 =	sadd.s32 $0x8F2B, s0  }
0xcc: {  	[sflag:s0] =	ssyncadd.remote.s32 $0x1  }
0xcd: {  	_ =	sfence.sel $0xFFFF  }
0xce: {  	[dreg:$0x0] =	wrdreg $0xFFFFFFFF;
	(pc) =	sbr.abs _section_cstart, $3  }
0xcf: {  	[dreg:$0x1] =	wrdreg $0xFFFFFFFF  }
0xd0: {  	_ =	task.clear_ibuf [dreg:s13], $0x2FFFF;
	_ =	strace $0x9FFFFFFF  }
0xd1: {  	(tm) =	ssettm $0x7FFFFFFF  }
tec
execute0_lowered:
.L_overlay_start_1:
0x0: {  	(tag) =	ssettag $0x1  }
0x1: {  	s0 =	rddreg [dreg:$0x0]  }
0x2: {  	s1 =	rddreg [dreg:$0x1]  }
0x3: {  	s2 =	rddreg [dreg:$0x3]  }
0x4: {  	s4 =	rddreg [dreg:$0x5]  }
0x5: {  	s6 =	rddreg [dreg:$0x6]  }
0x6: {  	s3 =	rddreg [dreg:$0x7];
	s5 =	simm.s32 $0x0  }
0x7: {  	s7 =	srdreg.scid;
	s13 =	stileid.u32;
	s29 =	simm.s32 $0x0  }
0x8: {  	[smem:$0x7FF] =	sst s5;
	s7 =	sand.u32 $0x1, s7;
	s11 =	sshll.u32 s13, $0x6  }
0x9: {  	s12 =	smul.u32 $0x4E2, s13;
	s22 =	sshll.u32 s13, $0x10;
	s8 =	ssub.s32 $0x2, s7  }
0xa: {  	s9 =	sshll.u32 s7, $0xA;
	_ =	strace $0x80000047;
	[dreg:$0x9] =	wrdreg s11  }
0xb: {  	s17 =	sshll.u32 s7, $0x14;
	s10 =	sshrl.u32 s8, $0x1;
	s9 =	sor.u32 s11, s9  }
0xc: {  	s0 =	sadd.s32 s0, s12;
	s1 =	sadd.s32 s1, s12;
	s23 =	sor.u32 s22, s17  }
0xd: {  	s19 =	sor.u32 $0x200000, s17;
	s20 =	sadd.s32 $0x100000, s17;
	s11 =	sshrl.u32 s9, $0x3  }
0xe: {  	s9 =	sshll.u32 s9, $0x4;
	s8 =	ssub.s32 s8, s10;
	[dreg:$0xc] =	wrdreg s0  }
0xf: {  	[dreg:$0xd] =	wrdreg s1;
	s1 =	sshrl.u32 s23, $0x3;
	s0 =	sor.u32 s22, s19  }
0x10: {  	v1 =	vmov s20;
	v2 =	vmov s19;
	s19 =	simm.s32 $0x1;
	s20 =	simm.s32 $0xC680;
	s2 =	sadd.s32 s2, s11  }
0x11: {  	s21 =	sadd.s32 s6, s9;
	s11 =	sadd.s32 s22, s3;
	[dreg:$0xa] =	wrdreg s2  }
0x12: {  	s1 =	sadd.s32 s4, s1;
	s0 =	sshrl.u32 s0, $0x3;
	[dreg:$0xb] =	wrdreg s21  }
0x13: {  	s24 =	smax.u32 s8, $0x1;
	[dreg:$0xe] =	wrdreg s1;
	s21 =	sadd.s32 $0x300000, s17  }
0x14: {  	s0 =	sadd.s32 s4, s0;
	[dreg:$0x10] =	wrdreg s24;
	s31 =	sadd.s32 $0x800, s11  }
0x15: {  	s4 =	sadd.s32 $0x1800, s11;
	s1 =	sadd.s32 $0x2000, s11;
	s2 =	sadd.s32 $0x2800, s11  }
0x16: {  	s7 =	sadd.s32 $0x3000, s11;
	s8 =	sadd.s32 $0x3800, s11;
	s9 =	sadd.s32 $0x4000, s11  }
0x17: {  	s10 =	sadd.s32 $0x4800, s11;
	s24 =	sadd.s32 $0x9800, s11;
	[dreg:$0xf] =	wrdreg s0  }
0x18: {  	s12 =	sadd.s32 $0x5000, s11;
	s25 =	sadd.s32 $0xA000, s11;
	[dreg:$0x11] =	wrdreg s24  }
0x19: {  	s13 =	sadd.s32 $0x5800, s11;
	s26 =	sadd.s32 $0xA800, s11;
	[dreg:$0x12] =	wrdreg s25  }
0x1a: {  	s14 =	sadd.s32 $0x6000, s11;
	s28 =	sadd.s32 $0xB000, s11;
	[dreg:$0x13] =	wrdreg s26  }
0x1b: {  	s6 =	sadd.s32 $0x6800, s11;
	s30 =	sadd.s32 $0xB800, s11;
	[dreg:$0x14] =	wrdreg s28  }
0x1c: {  	s15 =	sadd.s32 $0x7000, s11;
	[dreg:$0x15] =	wrdreg s30;
	s25 =	sadd.s32 $0xC000, s11  }
0x1d: {  	s16 =	sadd.s32 $0x7800, s11;
	s26 =	sadd.s32 $0xC800, s11;
	[dreg:$0x16] =	wrdreg s25  }
0x1e: {  	s18 =	sadd.s32 $0x8000, s11;
	s28 =	sadd.s32 $0xD000, s11;
	[dreg:$0x17] =	wrdreg s26  }
0x1f: {  	s22 =	sadd.s32 $0x8800, s11;
	s30 =	sadd.s32 $0xD800, s11;
	[dreg:$0x18] =	wrdreg s28  }
.Ltmp0:
0x20: {  	[dreg:$0x19] =	wrdreg s30;
	s25 =	sadd.s32 $0xE000, s11;
	(pc) =	sbr.rel .LBB2_1-.Ltmp0, $4  }
0x21: {  	s23 =	sadd.s32 $0x9000, s11;
	s26 =	sadd.s32 $0xE800, s11;
	[dreg:$0x1a] =	wrdreg s25  }
0x22: {  	v4 =	vimm.f32 $1.000000000e+00;
	v5 =	vimm.f32 $0.0e+00;
	s0 =	sadd.s32 $0x1000, s11;
	s28 =	sadd.s32 $0xF000, s11;
	[dreg:$0x1b] =	wrdreg s26  }
0x23: {  	v6 =	vimm.s32 $0x0;
	v7 =	vimm.s32 $0x400000;
	v0 =	vmov s17;
	s17 =	smov.u32 s18;
	s30 =	sadd.s32 $0xF800, s11;
	[dreg:$0x1c] =	wrdreg s28  }
0x24: {  	v8 =	vimm.s32 $0x100000;
	vm0 =	vmmov $0xffff;
	s18 =	simm.s32 $0x3;
	v3 =	vmov s21;
	s21 =	simm.s32 $0xC600;
	[dreg:$0x1d] =	wrdreg s30  }
.LBB2_27:
0x25: {  	_ =	sdelay $0x3  }
0x26: {  	[spmem:s3] =	stream.indirect_vreg.scatter.add.f32 [tilespmem:s21], [sflag:$0x3], $0x1, v9, vm0, $0xb8;
	[tilespmem:$0x1EF08] =	vst v63  }
0x27: {  	_ =	swait.ge [sflag:s18], $0x10  }
0x28: {  	[sflag:s18] =	ssyncset.done $0x0  }
0x29: {  	s29 =	rddreg [dreg:$0x1e];
	[sflag:s18] =	ssyncadd.s32 $0xFFFFFFF0  }
.LBB2_28:
0x2a: {  	[bflag:$0x0] =	sbarrier.arrive $0xFFFF  }
0x2b: {  	s25 =	simm.s32 $0x2;
	s24 =	rddreg [dreg:$0xf]  }
0x2c: {  	[hbm:s24], [sflag:s30] =	dma.local [spmem:s26], $0x2000  }
0x2d: {  	_ =	swait.ge [sflag:s25], $0x2000  }
0x2e: {  	s29 =	sadd.s32 $0x1, s29;
	s30 =	rddreg [dreg:$0x10]  }
0x2f: {  	p0 =	sne.s32 s29, s30  }
.Ltmp1:
0x30: {  	_ = 	snop;
	(pc) =	sbr.rel @!p0 .LBB2_29-.Ltmp1, $3  }
0x31: {  	_ =	sdelay $0x1  }
0x32: {  	[sflag:s25] =	ssyncset.done $0x0  }
0x33: {  	[sflag:s25] =	ssyncadd.s32 $0xFFFFE000  }
.LBB2_1:
0x34: {  	[dreg:$0x1e] =	wrdreg s29  }
0x35: {  	s24 =	rddreg [dreg:$0xa];
	s25 =	simm.s32 $0xCE80  }
0x36: {  	[tilespmem:s25], [sflag:$0x3] =	stream.linear.gather [hbm4b:s24+s5], $0x40, $0x38;
	[tilespmem:$0x1EF08] =	vst v63  }
0x37: {  	_ =	swait.ge [sflag:s18], $0x40  }
0x38: {  	[sflag:s18] =	ssyncset.done $0x0  }
0x39: {  	[sflag:s18] =	ssyncadd.s32 $0xFFFFFFC0  }
0x3a: {  	s26 =	simm.s32 $0x40;
	s28 =	simm.s32 $0xCF00;
	s29 =	rddreg [dreg:$0x4]  }
0x3b: {  	[tilespmem:s28], [sflag:$0x1] =	stream.indirect.gather [hbm4b:s29+s26], $0x80, s25, s26, $0xb8;
	[tilespmem:$0x1EF08] =	vst v63  }
0x3c: {  	_ =	swait.ge [sflag:s19], $0x2000  }
0x3d: {  	[sflag:s19] =	ssyncset.done $0x0  }
0x3e: {  	s30 =	rddreg [dreg:$0xb];
	[sflag:s19] =	ssyncadd.s32 $0xFFFFE000  }
0x3f: {  	[hbm4b:s30+s5] =	stream.linear.scatter [tilespmem:s28], [sflag:$0x3], $0x2000, $0x38;
	[tilespmem:$0x1EF08] =	vst v63  }
0x40: {  	_ =	swait.ge [sflag:s18], $0x2000  }
0x41: {  	[sflag:s18] =	ssyncset.done $0x0  }
0x42: {  	[sflag:s18] =	ssyncadd.s32 $0xFFFFE000  }
0x43: {  	s25 =	rddreg [dreg:$0x2]  }
0x44: {  	[tilespmem:s5], [sflag:$0x3] =	stream.linear.gather [hbm4b:s25+s5], $0x2780, $0x38;
	[tilespmem:$0x1EF08] =	vst v63  }
0x45: {  	_ =	swait.ge [sflag:s18], $0x2780  }
0x46: {  	[sflag:s18] =	ssyncset.done $0x0  }
0x47: {  	s28 =	simm.s32 $0x2780;
	s26 =	rddreg [dreg:$0xc];
	[sflag:s18] =	ssyncadd.s32 $0xFFFFD880  }
0x48: {  	[tilespmem:s28], [sflag:$0x3] =	stream.linear.gather [hbm4b:s26+s5], $0x2710, $0x38;
	[tilespmem:$0x1EF08] =	vst v63  }
0x49: {  	_ =	swait.ge [sflag:s18], $0x2710  }
0x4a: {  	[sflag:s18] =	ssyncset.done $0x0  }
0x4b: {  	s30 =	simm.s32 $0x4F00;
	s29 =	rddreg [dreg:$0xd];
	[sflag:s18] =	ssyncadd.s32 $0xFFFFD8F0  }
0x4c: {  	[tilespmem:s30], [sflag:$0x3] =	stream.linear.gather [hbm4b:s29+s5], $0x2710, $0x38;
	[tilespmem:$0x1EF08] =	vst v63  }
0x4d: {  	_ =	swait.ge [sflag:s18], $0x2710  }
0x4e: {  	[sflag:s18] =	ssyncset.done $0x0  }
0x4f: {  	[sflag:s18] =	ssyncadd.s32 $0xFFFFD8F0  }
0x50: {  	s24 =	simm.s32 $0x0;
	[tilespmem:$0xC600] =	vst v4  }
.LBB2_2:
0x51: {  	p0 =	sne.s32 s24, $0x1FC0  }
.Ltmp2:
0x52: {  	_ = 	snop;
	(pc) =	sbr.rel @p0 .LBB2_2-.Ltmp2, $3  }
0x53: {  	_ =	sdelay $0x1  }
0x54: {  	s25 =	sshra.s32 s24, $0x2  }
0x55: {  	s24 =	sadd.s32 $0x40, s24;
	[tilespmem:s25+$0xC680] =	vst v5  }
0x56: {  	s24 =	simm.s32 $0x0  }
0x57: {  	v9 =	vld [tilespmem:s24+$0x2780]  }
0x58: {  	v10 =	vld [tilespmem:s24+$0x4F00];
	_ =	sdelay $0x6  }
0x59: {  	v9 =	vld.idx.msk [tilespmem:v9+s5+$0x0], $0xffff  }
0x5a: {  	v10 =	vld.idx.msk [tilespmem:v10+s5+$0x0], $0xffff;
	_ =	sdelay $0x4  }
0x5b: {  	v11 =	vor.u32 v9, v10  }
0x5c: {  	vm1 =	vgt.s32 v11, $0xFFFFFFFF  }
0x5d: {  	v11 =	vsel vm1, $0x1, v6  }
0x5e: {  	(xrf0) =	vadd.scan.msk.s32 $0xffff, v11;
	_ =	sdelay $0x2  }
0x5f: {  	v10 =	vshll.u32 v10, $0xB  }
0x60: {  	s25 =	simm.s32 $0x0;
	v9 =	vadd.s32 v9, v10  }
0x61: {  	[tilespmem:s25+$0x7680] =	vst.msk vm1, v9  }
0x62: {  	v9 =	vld [tilespmem:s24+$0x2790];
	v10, _, _ =	vpop (xrf0)  }
0x63: {  	(v2sf) =	vpush v10, $0xF;
	v10 =	vld [tilespmem:s24+$0x4F10];
	_ =	sdelay $0x6  }
0x64: {  	v9 =	vld.idx.msk [tilespmem:v9+s5+$0x0], $0xffff  }
0x65: {  	v10 =	vld.idx.msk [tilespmem:v10+s5+$0x0], $0xffff;
	_ =	sdelay $0x4  }
0x66: {  	v11 =	vor.u32 v9, v10  }
0x67: {  	v10 =	vshll.u32 v10, $0xB;
	vm1 =	vgt.s32 v11, $0xFFFFFFFF  }
0x68: {  	v9 =	vadd.s32 v9, v10;
	v10 =	vsel vm1, $0x1, v6  }
0x69: {  	(xrf0) =	vadd.scan.msk.s32 $0xffff, v10;
	_ =	sdelay $0x3  }
0x6a: {  	s30 =	spop (v2sf)  }
0x6b: {  	s26 =	sadd.s32 $0x0, s30  }
0x6c: {  	s25 =	simm.s32 $0x20;
	[tilespmem:s26+$0x7680] =	vst.msk vm1, v9;
	v10, _, _ =	vpop (xrf0)  }
0x6d: {  	v9 =	vld [tilespmem:s25+$0x2780];
	(v2sf) =	vpush v10, $0xF  }
0x6e: {  	v11 =	vld [tilespmem:s25+$0x4F00];
	_ =	sdelay $0x6  }
0x6f: {  	v9 =	vld.idx.msk [tilespmem:v9+s5+$0x0], $0xffff  }
0x70: {  	s24 =	simm.s32 $0x100;
	v10 =	vld.idx.msk [tilespmem:v11+s5+$0x0], $0xffff  }
.LBB2_4:
0x71: {  	_ =	sdelay $0x3  }
0x72: {  	p0 =	sne.s32 s24, $0x9B80;
	s28 =	smov.u32 s24;
	s24 =	sadd.s32 $0x80, s24  }
0x73: {  	v11 =	vor.u32 v9, v10;
	v10 =	vshll.u32 v10, $0xB;
	s29 =	spop (v2sf)  }
0x74: {  	vm1 =	vgt.s32 v11, $0xFFFFFFFF;
	v9 =	vadd.s32 v9, v10;
	s26 =	sadd.s32 s26, s29  }
0x75: {  	[tilespmem:s26+$0x7680] =	vst.msk vm1, v9;
	v9 =	vsel vm1, $0x1, v6  }
0x76: {  	v10 =	vld [tilespmem:s25+$0x2790];
	(xrf0) =	vadd.scan.msk.s32 $0xffff, v9  }
0x77: {  	v9 =	vld [tilespmem:s25+$0x4F10];
	_ =	sdelay $0x4  }
0x78: {  	v11, _, _ =	vpop (xrf0)  }
0x79: {  	(v2sf) =	vpush v11, $0xF  }
0x7a: {  	v10 =	vld.idx.msk [tilespmem:v10+s5+$0x0], $0xffff  }
0x7b: {  	v9 =	vld.idx.msk [tilespmem:v9+s5+$0x0], $0xffff;
	_ =	sdelay $0x5  }
0x7c: {  	v11 =	vor.u32 v10, v9;
	v9 =	vshll.u32 v9, $0xB  }
0x7d: {  	vm1 =	vgt.s32 v11, $0xFFFFFFFF;
	v9 =	vadd.s32 v10, v9  }
0x7e: {  	v10 =	vsel vm1, $0x1, v6  }
0x7f: {  	(xrf0) =	vadd.scan.msk.s32 $0xffff, v10;
	_ =	sdelay $0x3  }
0x80: {  	s25 =	spop (v2sf)  }
0x81: {  	s26 =	sadd.s32 s26, s25  }
0x82: {  	s25 =	sshra.s32 s28, $0x2;
	[tilespmem:s26+$0x7680] =	vst.msk vm1, v9;
	v9, _, _ =	vpop (xrf0)  }
0x83: {  	v10 =	vld [tilespmem:s25+$0x2780];
	(v2sf) =	vpush v9, $0xF  }
0x84: {  	v11 =	vld [tilespmem:s25+$0x4F00];
	_ =	sdelay $0x3  }
.Ltmp3:
0x85: {  	(pc) =	sbr.rel @p0 .LBB2_4-.Ltmp3, $3  }
0x86: {  	_ =	sdelay $0x1  }
0x87: {  	v9 =	vld.idx.msk [tilespmem:v10+s5+$0x0], $0xffff  }
0x88: {  	v10 =	vld.idx.msk [tilespmem:v11+s5+$0x0], $0xffff  }
0x89: {  	_ =	sdelay $0x3  }
0x8a: {  	v11 =	vor.u32 v9, v10  }
0x8b: {  	vm1 =	vgt.s32 v11, $0xFFFFFFFF  }
0x8c: {  	v11 =	vsel vm1, $0x1, v6  }
0x8d: {  	(xrf0) =	vadd.scan.msk.s32 $0xffff, v11;
	_ =	sdelay $0x2  }
0x8e: {  	v10 =	vshll.u32 v10, $0xB;
	_ =	sdelay $0x1  }
0x8f: {  	s24 =	spop (v2sf)  }
0x90: {  	v9 =	vadd.s32 v9, v10;
	s24 =	sadd.s32 s26, s24;
	v10, _, _ =	vpop (xrf0)  }
0x91: {  	[tilespmem:s24+$0x7680] =	vst.msk vm1, v9;
	(v2sf) =	vpush v10, $0xF  }
0x92: {  	v9 =	vld [tilespmem:s25+$0x2790]  }
0x93: {  	v10 =	vld [tilespmem:s25+$0x4F10];
	_ =	sdelay $0x6  }
0x94: {  	v9 =	vld.idx.msk [tilespmem:v9+s5+$0x0], $0xffff  }
0x95: {  	v10 =	vld.idx.msk [tilespmem:v10+s5+$0x0], $0xffff;
	_ =	sdelay $0x4  }
0x96: {  	v11 =	vor.u32 v9, v10;
	v10 =	vshll.u32 v10, $0xB;
	s28 =	spop (v2sf)  }
0x97: {  	vm1 =	vgt.s32 v11, $0xFFFFFFFF;
	v9 =	vadd.s32 v9, v10;
	s24 =	sadd.s32 s24, s28  }
0x98: {  	[tilespmem:s24+$0x7680] =	vst.msk vm1, v9  }
0x99: {  	v9 =	vld [tilespmem:$0x4E80]  }
0x9a: {  	v10 =	vld [tilespmem:$0x7600];
	_ =	sdelay $0x5  }
0x9b: {  	s25 =	simm.s32 $0x0  }
0x9c: {  	v9 =	vld.idx.msk [tilespmem:v9+s25+$0x0], $0xffff  }
0x9d: {  	v10 =	vld.idx.msk [tilespmem:v10+s25+$0x0], $0xffff;
	_ =	sdelay $0x4  }
0x9e: {  	v11 =	vor.u32 v9, v10  }
0x9f: {  	v12 =	vsel vm1, $0x1, v6;
	vm1 =	vgt.s32 v11, $0xFFFFFFFF  }
0xa0: {  	(xrf0) =	vadd.scan.msk.s32 $0xffff, v12;
	v11 =	vsel vm1, $0x1, v6  }
0xa1: {  	(xrf0) =	vadd.scan.msk.s32 $0xffff, v11;
	_ =	sdelay $0x4  }
0xa2: {  	v11, _, _ =	vpop (xrf0)  }
0xa3: {  	(v2sf) =	vpush v11, $0xF;
	v11, _, _ =	vpop (xrf0)  }
0xa4: {  	(v2sf) =	vpush v11, $0xF;
	_ =	sdelay $0xd  }
0xa5: {  	v10 =	vshll.u32 v10, $0xB;
	s29 =	spop (v2sf)  }
0xa6: {  	v9 =	vadd.s32 v9, v10;
	s24 =	sadd.s32 s24, s29;
	s30 =	spop (v2sf)  }
0xa7: {  	[tilespmem:s24+$0x7680] =	vst.msk vm1, v9;
	s24 =	sadd.s32 s24, s30  }
0xa8: {  	[tilespmem:s24+$0x7680] =	vst v7  }
0xa9: {  	[spmem:s11] =	stream.linear.scatter [tilespmem:s20], [sflag:$0x1], $0x800, $0x38;
	[tilespmem:$0x1EF08] =	vst v63  }
0xaa: {  	_ = 	snop  }
0xab: {  	[spmem:s31] =	stream.linear.scatter [tilespmem:s20], [sflag:$0x1], $0x800, $0x38;
	[tilespmem:$0x1EF08] =	vst v63  }
0xac: {  	_ = 	snop  }
0xad: {  	[spmem:s0] =	stream.linear.scatter [tilespmem:s20], [sflag:$0x1], $0x800, $0x38;
	[tilespmem:$0x1EF08] =	vst v63  }
0xae: {  	_ = 	snop  }
0xaf: {  	[spmem:s4] =	stream.linear.scatter [tilespmem:s20], [sflag:$0x1], $0x800, $0x38;
	[tilespmem:$0x1EF08] =	vst v63  }
0xb0: {  	_ = 	snop  }
0xb1: {  	[spmem:s1] =	stream.linear.scatter [tilespmem:s20], [sflag:$0x1], $0x800, $0x38;
	[tilespmem:$0x1EF08] =	vst v63  }
0xb2: {  	_ = 	snop  }
0xb3: {  	[spmem:s2] =	stream.linear.scatter [tilespmem:s20], [sflag:$0x1], $0x800, $0x38;
	[tilespmem:$0x1EF08] =	vst v63  }
0xb4: {  	_ = 	snop  }
0xb5: {  	[spmem:s7] =	stream.linear.scatter [tilespmem:s20], [sflag:$0x1], $0x800, $0x38;
	[tilespmem:$0x1EF08] =	vst v63  }
0xb6: {  	_ = 	snop  }
0xb7: {  	[spmem:s8] =	stream.linear.scatter [tilespmem:s20], [sflag:$0x1], $0x800, $0x38;
	[tilespmem:$0x1EF08] =	vst v63  }
0xb8: {  	_ = 	snop  }
0xb9: {  	[spmem:s9] =	stream.linear.scatter [tilespmem:s20], [sflag:$0x1], $0x800, $0x38;
	[tilespmem:$0x1EF08] =	vst v63  }
0xba: {  	_ = 	snop  }
0xbb: {  	[spmem:s10] =	stream.linear.scatter [tilespmem:s20], [sflag:$0x1], $0x800, $0x38;
	[tilespmem:$0x1EF08] =	vst v63  }
0xbc: {  	_ = 	snop  }
0xbd: {  	[spmem:s12] =	stream.linear.scatter [tilespmem:s20], [sflag:$0x1], $0x800, $0x38;
	[tilespmem:$0x1EF08] =	vst v63  }
0xbe: {  	_ = 	snop  }
0xbf: {  	[spmem:s13] =	stream.linear.scatter [tilespmem:s20], [sflag:$0x1], $0x800, $0x38;
	[tilespmem:$0x1EF08] =	vst v63  }
0xc0: {  	_ = 	snop  }
0xc1: {  	[spmem:s14] =	stream.linear.scatter [tilespmem:s20], [sflag:$0x1], $0x800, $0x38;
	[tilespmem:$0x1EF08] =	vst v63  }
0xc2: {  	_ = 	snop  }
0xc3: {  	[spmem:s6] =	stream.linear.scatter [tilespmem:s20], [sflag:$0x1], $0x800, $0x38;
	[tilespmem:$0x1EF08] =	vst v63  }
0xc4: {  	_ = 	snop  }
0xc5: {  	[spmem:s15] =	stream.linear.scatter [tilespmem:s20], [sflag:$0x1], $0x800, $0x38;
	[tilespmem:$0x1EF08] =	vst v63  }
0xc6: {  	_ = 	snop  }
0xc7: {  	[spmem:s16] =	stream.linear.scatter [tilespmem:s20], [sflag:$0x1], $0x800, $0x38;
	[tilespmem:$0x1EF08] =	vst v63  }
0xc8: {  	_ = 	snop  }
0xc9: {  	[spmem:s17] =	stream.linear.scatter [tilespmem:s20], [sflag:$0x1], $0x800, $0x38;
	[tilespmem:$0x1EF08] =	vst v63  }
0xca: {  	_ = 	snop  }
0xcb: {  	[spmem:s22] =	stream.linear.scatter [tilespmem:s20], [sflag:$0x1], $0x800, $0x38;
	[tilespmem:$0x1EF08] =	vst v63  }
0xcc: {  	_ = 	snop  }
0xcd: {  	[spmem:s23] =	stream.linear.scatter [tilespmem:s20], [sflag:$0x1], $0x800, $0x38;
	[tilespmem:$0x1EF08] =	vst v63  }
0xce: {  	s28 =	rddreg [dreg:$0x11]  }
0xcf: {  	[spmem:s28] =	stream.linear.scatter [tilespmem:s20], [sflag:$0x1], $0x800, $0x38;
	[tilespmem:$0x1EF08] =	vst v63  }
0xd0: {  	s29 =	rddreg [dreg:$0x12]  }
0xd1: {  	[spmem:s29] =	stream.linear.scatter [tilespmem:s20], [sflag:$0x1], $0x800, $0x38;
	[tilespmem:$0x1EF08] =	vst v63  }
0xd2: {  	s30 =	rddreg [dreg:$0x13]  }
0xd3: {  	[spmem:s30] =	stream.linear.scatter [tilespmem:s20], [sflag:$0x1], $0x800, $0x38;
	[tilespmem:$0x1EF08] =	vst v63  }
0xd4: {  	s28 =	rddreg [dreg:$0x14]  }
0xd5: {  	[spmem:s28] =	stream.linear.scatter [tilespmem:s20], [sflag:$0x1], $0x800, $0x38;
	[tilespmem:$0x1EF08] =	vst v63  }
0xd6: {  	s29 =	rddreg [dreg:$0x15]  }
0xd7: {  	[spmem:s29] =	stream.linear.scatter [tilespmem:s20], [sflag:$0x1], $0x800, $0x38;
	[tilespmem:$0x1EF08] =	vst v63  }
0xd8: {  	s30 =	rddreg [dreg:$0x16]  }
0xd9: {  	[spmem:s30] =	stream.linear.scatter [tilespmem:s20], [sflag:$0x1], $0x800, $0x38;
	[tilespmem:$0x1EF08] =	vst v63  }
0xda: {  	s28 =	rddreg [dreg:$0x17]  }
0xdb: {  	[spmem:s28] =	stream.linear.scatter [tilespmem:s20], [sflag:$0x1], $0x800, $0x38;
	[tilespmem:$0x1EF08] =	vst v63  }
0xdc: {  	s29 =	rddreg [dreg:$0x18]  }
0xdd: {  	[spmem:s29] =	stream.linear.scatter [tilespmem:s20], [sflag:$0x1], $0x800, $0x38;
	[tilespmem:$0x1EF08] =	vst v63  }
0xde: {  	s30 =	rddreg [dreg:$0x19]  }
0xdf: {  	[spmem:s30] =	stream.linear.scatter [tilespmem:s20], [sflag:$0x1], $0x800, $0x38;
	[tilespmem:$0x1EF08] =	vst v63  }
0xe0: {  	s28 =	rddreg [dreg:$0x1a]  }
0xe1: {  	[spmem:s28] =	stream.linear.scatter [tilespmem:s20], [sflag:$0x1], $0x800, $0x38;
	[tilespmem:$0x1EF08] =	vst v63  }
0xe2: {  	s24 =	sadd.s32 $0xF, s24;
	s29 =	rddreg [dreg:$0x1b]  }
0xe3: {  	[spmem:s29] =	stream.linear.scatter [tilespmem:s20], [sflag:$0x1], $0x800, $0x38;
	[tilespmem:$0x1EF08] =	vst v63  }
0xe4: {  	s30 =	rddreg [dreg:$0x1c];
	s29 =	sand.u32 $0xF, s24  }
0xe5: {  	[spmem:s30] =	stream.linear.scatter [tilespmem:s20], [sflag:$0x1], $0x800, $0x38;
	[tilespmem:$0x1EF08] =	vst v63  }
0xe6: {  	p1 =	slt.s32 s24, $0x1;
	p0 =	sne.s32 s29, $0x0;
	s30 =	sshra.s32 s24, $0x1F  }
0xe7: {  	p0 =	por !p1, !p0;
	s26 =	sshrl.u32 s30, $0x1C  }
0xe8: {  	p0 =	por !p0, !p0;
	s24 =	sadd.s32 s26, s24;
	s26 =	simm.s32 $0x1  }
0xe9: {  	s24 =	sshra.s32 s24, $0x4;
	s26 =	simm.s32 @!p0 $0x0  }
0xea: {  	s24 =	ssub.s32 s24, s26  }
0xeb: {  	p0 =	slt.s32 s24, $0x1  }
.Ltmp4:
0xec: {  	_ = 	snop;
	(pc) =	sbr.rel @p0 .LBB2_12-.Ltmp4, $4  }
0xed: {  	_ = 	snop  }
0xee: {  	s28 =	rddreg [dreg:$0x1d]  }
0xef: {  	[spmem:s28] =	stream.linear.scatter [tilespmem:s20], [sflag:$0x1], $0x800, $0x38;
	[tilespmem:$0x1EF08] =	vst v63  }
0xf0: {  	s26 =	simm.s32 $0x7680  }
0xf1: {  	p2 =	sne.s32 s24, $0x1  }
.Ltmp5:
0xf2: {  	_ = 	snop;
	(pc) =	sbr.rel @!p2 .LBB2_7-.Ltmp5, $2  }
0xf3: {  	_ =	sdelay $0x2  }
0xf4: {  	v9 =	vld [tilespmem:s26+$0x0];
	s29 =	sadd.s32 $0xFFFFFFFF, s24;
	p1 =	por $0x0, $0x0  }
0xf5: {  	_ =	sdelay $0x3  }
0xf6: {  	vm1 =	vge.s32 v9, v0;
	vm2 =	vlt.s32 v9, v1  }
0xf7: {  	vm1 =	vmand vm1, vm2  }
0xf8: {  	v10 =	vsel vm1, $0x1, v6  }
0xf9: {  	(xrf0) =	vadd.scan.msk.s32 $0xffff, v10;
	_ =	sdelay $0x3  }
0xfa: {  	p2 =	sne.s32 s29, $0x1  }
.Ltmp6:
0xfb: {  	_ = 	snop;
	(pc) =	sbr.rel @!p2 .LBB2_9-.Ltmp6, $4  }
0xfc: {  	v10, _, _ =	vpop (xrf0)  }
0xfd: {  	v9 =	vsub.s32 v9, v0;
	(v2sf) =	vpush v10, $0xF  }
0xfe: {  	s28 =	sadd.s32 $0x10, s26;
	[tilespmem:s25+$0x9E00] =	vst.msk vm1, v9  }
0xff: {  	s29 =	sadd.s32 $0xFFFFFFFF, s29;
	p1 =	por $0x1, $0x1;
	s26 =	simm.s32 $0x0;
	v9 =	vld [tilespmem:s28+$0x0]  }
.LBB2_10:
0x100: {  	p2 =	sne.s32 s29, $0x1;
	_ =	sdelay $0x3  }
0x101: {  	vm1 =	vge.s32 v9, v0;
	vm2 =	vlt.s32 v9, v1;
	v9 =	vsub.s32 v9, v0  }
0x102: {  	vm1 =	vmand vm1, vm2  }
0x103: {  	v10 =	vsel vm1, $0x1, v6  }
0x104: {  	(xrf0) =	vadd.scan.msk.s32 $0xffff, v10;
	_ =	sdelay $0x4  }
.Ltmp7:
0x105: {  	s30 =	spop (v2sf);
	(pc) =	sbr.rel @p2 .LBB2_10-.Ltmp7, $4  }
0x106: {  	v10, _, _ =	vpop (xrf0);
	s26 =	sadd.s32 s26, s30  }
0x107: {  	[tilespmem:s26+$0x9E00] =	vst.msk vm1, v9;
	(v2sf) =	vpush v10, $0xF  }
0x108: {  	s28 =	sadd.s32 $0x10, s28  }
0x109: {  	s29 =	sadd.s32 $0xFFFFFFFF, s29;
	v9 =	vld [tilespmem:s28+$0x0]  }
.LBB2_11:
0x10a: {  	_ =	sdelay $0x3  }
0x10b: {  	vm1 =	vge.s32 v9, v0;
	vm2 =	vlt.s32 v9, v1  }
0x10c: {  	vm1 =	vmand vm1, vm2  }
0x10d: {  	v10 =	vsel vm1, $0x1, v6  }
0x10e: {  	(xrf0) =	vadd.scan.msk.s32 $0xffff, v10;
	_ =	sdelay $0x5  }
0x10f: {  	v10, _, _ =	vpop (xrf0)  }
0x110: {  	(v2sf) =	vpush v10, $0xF;
	_ =	sdelay $0xc  }
0x111: {  	s28 =	spop @p1 (v2sf)  }
0x112: {  	s26 =	sadd.s32 @p1 s26, s28  }
0x113: {  	v9 =	vsub.s32 v9, v0;
	s25 =	smov.u32 @p1 s26;
	s30 =	spop (v2sf)  }
0x114: {  	[tilespmem:s25+$0x9E00] =	vst.msk vm1, v9;
	s25 =	sadd.s32 s25, s30  }
.LBB2_12:
0x115: {  	[tilespmem:s25+$0x9E00] =	vst v8  }
0x116: {  	[tilespmem:s25+$0x9E10] =	vst v8  }
0x117: {  	[tilespmem:s25+$0x9E20] =	vst v8  }
0x118: {  	[tilespmem:s25+$0x9E30] =	vst v8  }
0x119: {  	[tilespmem:s25+$0x9E40] =	vst v8  }
0x11a: {  	[tilespmem:s25+$0x9E50] =	vst v8  }
0x11b: {  	[tilespmem:s25+$0x9E60] =	vst v8  }
0x11c: {  	[tilespmem:s25+$0x9E70] =	vst v8  }
0x11d: {  	[tilespmem:s25+$0x9E80] =	vst v8  }
0x11e: {  	_ =	swait.ge [sflag:s19], $0x800  }
0x11f: {  	[sflag:s19] =	ssyncset.done $0x0  }
0x120: {  	[sflag:s19] =	ssyncadd.s32 $0xFFFFF800  }
0x121: {  	_ =	swait.ge [sflag:s19], $0x800  }
0x122: {  	[sflag:s19] =	ssyncset.done $0x0  }
0x123: {  	[sflag:s19] =	ssyncadd.s32 $0xFFFFF800  }
0x124: {  	_ =	swait.ge [sflag:s19], $0x800  }
0x125: {  	[sflag:s19] =	ssyncset.done $0x0  }
0x126: {  	[sflag:s19] =	ssyncadd.s32 $0xFFFFF800  }
0x127: {  	_ =	swait.ge [sflag:s19], $0x800  }
0x128: {  	[sflag:s19] =	ssyncset.done $0x0  }
0x129: {  	[sflag:s19] =	ssyncadd.s32 $0xFFFFF800  }
0x12a: {  	_ =	swait.ge [sflag:s19], $0x800  }
0x12b: {  	[sflag:s19] =	ssyncset.done $0x0  }
0x12c: {  	[sflag:s19] =	ssyncadd.s32 $0xFFFFF800  }
0x12d: {  	_ =	swait.ge [sflag:s19], $0x800  }
0x12e: {  	[sflag:s19] =	ssyncset.done $0x0  }
0x12f: {  	[sflag:s19] =	ssyncadd.s32 $0xFFFFF800  }
0x130: {  	_ =	swait.ge [sflag:s19], $0x800  }
0x131: {  	[sflag:s19] =	ssyncset.done $0x0  }
0x132: {  	[sflag:s19] =	ssyncadd.s32 $0xFFFFF800  }
0x133: {  	_ =	swait.ge [sflag:s19], $0x800  }
0x134: {  	[sflag:s19] =	ssyncset.done $0x0  }
0x135: {  	[sflag:s19] =	ssyncadd.s32 $0xFFFFF800  }
0x136: {  	_ =	swait.ge [sflag:s19], $0x800  }
0x137: {  	[sflag:s19] =	ssyncset.done $0x0  }
0x138: {  	[sflag:s19] =	ssyncadd.s32 $0xFFFFF800  }
0x139: {  	_ =	swait.ge [sflag:s19], $0x800  }
0x13a: {  	[sflag:s19] =	ssyncset.done $0x0  }
0x13b: {  	[sflag:s19] =	ssyncadd.s32 $0xFFFFF800  }
0x13c: {  	_ =	swait.ge [sflag:s19], $0x800  }
0x13d: {  	[sflag:s19] =	ssyncset.done $0x0  }
0x13e: {  	[sflag:s19] =	ssyncadd.s32 $0xFFFFF800  }
0x13f: {  	_ =	swait.ge [sflag:s19], $0x800  }
0x140: {  	[sflag:s19] =	ssyncset.done $0x0  }
0x141: {  	[sflag:s19] =	ssyncadd.s32 $0xFFFFF800  }
0x142: {  	_ =	swait.ge [sflag:s19], $0x800  }
0x143: {  	[sflag:s19] =	ssyncset.done $0x0  }
0x144: {  	[sflag:s19] =	ssyncadd.s32 $0xFFFFF800  }
0x145: {  	_ =	swait.ge [sflag:s19], $0x800  }
0x146: {  	[sflag:s19] =	ssyncset.done $0x0  }
0x147: {  	[sflag:s19] =	ssyncadd.s32 $0xFFFFF800  }
0x148: {  	_ =	swait.ge [sflag:s19], $0x800  }
0x149: {  	[sflag:s19] =	ssyncset.done $0x0  }
0x14a: {  	[sflag:s19] =	ssyncadd.s32 $0xFFFFF800  }
0x14b: {  	_ =	swait.ge [sflag:s19], $0x800  }
0x14c: {  	[sflag:s19] =	ssyncset.done $0x0  }
0x14d: {  	[sflag:s19] =	ssyncadd.s32 $0xFFFFF800  }
0x14e: {  	_ =	swait.ge [sflag:s19], $0x800  }
0x14f: {  	[sflag:s19] =	ssyncset.done $0x0  }
0x150: {  	[sflag:s19] =	ssyncadd.s32 $0xFFFFF800  }
0x151: {  	_ =	swait.ge [sflag:s19], $0x800  }
0x152: {  	[sflag:s19] =	ssyncset.done $0x0  }
0x153: {  	[sflag:s19] =	ssyncadd.s32 $0xFFFFF800  }
0x154: {  	_ =	swait.ge [sflag:s19], $0x800  }
0x155: {  	[sflag:s19] =	ssyncset.done $0x0  }
0x156: {  	[sflag:s19] =	ssyncadd.s32 $0xFFFFF800  }
0x157: {  	_ =	swait.ge [sflag:s19], $0x800  }
0x158: {  	[sflag:s19] =	ssyncset.done $0x0  }
0x159: {  	[sflag:s19] =	ssyncadd.s32 $0xFFFFF800  }
0x15a: {  	_ =	swait.ge [sflag:s19], $0x800  }
0x15b: {  	[sflag:s19] =	ssyncset.done $0x0  }
0x15c: {  	[sflag:s19] =	ssyncadd.s32 $0xFFFFF800  }
0x15d: {  	_ =	swait.ge [sflag:s19], $0x800  }
0x15e: {  	[sflag:s19] =	ssyncset.done $0x0  }
0x15f: {  	[sflag:s19] =	ssyncadd.s32 $0xFFFFF800  }
0x160: {  	_ =	swait.ge [sflag:s19], $0x800  }
0x161: {  	[sflag:s19] =	ssyncset.done $0x0  }
0x162: {  	[sflag:s19] =	ssyncadd.s32 $0xFFFFF800  }
0x163: {  	_ =	swait.ge [sflag:s19], $0x800  }
0x164: {  	[sflag:s19] =	ssyncset.done $0x0  }
0x165: {  	[sflag:s19] =	ssyncadd.s32 $0xFFFFF800  }
0x166: {  	_ =	swait.ge [sflag:s19], $0x800  }
0x167: {  	[sflag:s19] =	ssyncset.done $0x0  }
0x168: {  	[sflag:s19] =	ssyncadd.s32 $0xFFFFF800  }
0x169: {  	_ =	swait.ge [sflag:s19], $0x800  }
0x16a: {  	[sflag:s19] =	ssyncset.done $0x0  }
0x16b: {  	[sflag:s19] =	ssyncadd.s32 $0xFFFFF800  }
0x16c: {  	_ =	swait.ge [sflag:s19], $0x800  }
0x16d: {  	[sflag:s19] =	ssyncset.done $0x0  }
0x16e: {  	[sflag:s19] =	ssyncadd.s32 $0xFFFFF800  }
0x16f: {  	_ =	swait.ge [sflag:s19], $0x800  }
0x170: {  	[sflag:s19] =	ssyncset.done $0x0  }
0x171: {  	s29 =	sadd.s32 $0xF, s25;
	[sflag:s19] =	ssyncadd.s32 $0xFFFFF800  }
0x172: {  	s26 =	sand.u32 $0xF, s29;
	_ =	swait.ge [sflag:s19], $0x800  }
0x173: {  	s30 =	sshra.s32 s29, $0x1F;
	p2 =	slt.s32 s29, $0x1;
	[sflag:s19] =	ssyncset.done $0x0  }
0x174: {  	p1 =	sne.s32 s26, $0x0;
	s26 =	sshrl.u32 s30, $0x1C;
	[sflag:s19] =	ssyncadd.s32 $0xFFFFF800  }
0x175: {  	p1 =	por !p2, !p1;
	s25 =	sadd.s32 s26, s29;
	_ =	swait.ge [sflag:s19], $0x800  }
0x176: {  	s26 =	simm.s32 $0x1;
	p1 =	por !p1, !p1;
	[sflag:s19] =	ssyncset.done $0x0  }
0x177: {  	s25 =	sshra.s32 s25, $0x4;
	s26 =	simm.s32 @!p1 $0x0;
	[sflag:s19] =	ssyncadd.s32 $0xFFFFF800  }
0x178: {  	s25 =	ssub.s32 s25, s26;
	_ =	swait.ge [sflag:s19], $0x800  }
0x179: {  	s26 =	sadd.s32 $0x8, s25;
	[sflag:s19] =	ssyncset.done $0x0  }
0x17a: {  	p1 =	slt.s32 s26, $0x1;
	[sflag:s19] =	ssyncadd.s32 $0xFFFFF800  }
.Ltmp8:
0x17b: {  	_ =	swait.ge [sflag:s19], $0x800;
	(pc) =	sbr.rel @p1 .LBB2_16-.Ltmp8, $4  }
0x17c: {  	[sflag:s19] =	ssyncset.done $0x0  }
0x17d: {  	[sflag:s19] =	ssyncadd.s32 $0xFFFFF800  }
0x17e: {  	[bflag:$0x0] =	sbarrier.arrive $0xFFFF  }
0x17f: {  	s25 =	simm.s32 $0x9E00  }
0x180: {  	p1 =	sne.s32 s26, $0x1  }
.Ltmp9:
0x181: {  	_ = 	snop;
	(pc) =	sbr.rel @!p1 .LBB2_15-.Ltmp9, $3  }
0x182: {  	_ =	sdelay $0x1  }
0x183: {  	v9 =	vld [tilespmem:s25+$0x0]  }
0x184: {  	s26 =	sadd.s32 $0xFFFFFFFF, s26  }
.LBB2_14:
0x185: {  	p1 =	sne.s32 s26, $0x1;
	_ =	sdelay $0x5  }
0x186: {  	[spmem:s3] =	stream.indirect_vreg.scatter.add.f32 [tilespmem:s21], [sflag:$0x3], $0x1, v9, vm0, $0xb8;
	[tilespmem:$0x1EF08] =	vst v63  }
.Ltmp10:
0x187: {  	_ =	swait.ge [sflag:s18], $0x10;
	(pc) =	sbr.rel @p1 .LBB2_14-.Ltmp10, $4  }
0x188: {  	[sflag:s18] =	ssyncset.done $0x0  }
0x189: {  	s25 =	sadd.s32 $0x10, s25;
	[sflag:s18] =	ssyncadd.s32 $0xFFFFFFF0  }
0x18a: {  	v9 =	vld [tilespmem:s25+$0x0]  }
0x18b: {  	s26 =	sadd.s32 $0xFFFFFFFF, s26  }
.LBB2_15:
0x18c: {  	_ =	sdelay $0x6  }
0x18d: {  	[spmem:s3] =	stream.indirect_vreg.scatter.add.f32 [tilespmem:s21], [sflag:$0x3], $0x1, v9, vm0, $0xb8;
	[tilespmem:$0x1EF08] =	vst v63  }
0x18e: {  	_ =	swait.ge [sflag:s18], $0x10  }
0x18f: {  	[sflag:s18] =	ssyncset.done $0x0  }
0x190: {  	[sflag:s18] =	ssyncadd.s32 $0xFFFFFFF0  }
.LBB2_16:
0x191: {  	[bflag:$0x0] =	sbarrier.arrive $0xFFFF  }
0x192: {  	s26 =	sshrl.u32 s11, $0x3;
	s25 =	rddreg [dreg:$0x9]  }
0x193: {  	s28 =	rddreg [dreg:$0xe];
	s30 =	sor.u32 $0x1C02, s25;
	s25 =	simm.s32 $0x2  }
0x194: {  	[hbm:s28], [sflag:s30] =	dma.local [spmem:s26], $0x2000  }
0x195: {  	_ =	swait.ge [sflag:s25], $0x2000  }
0x196: {  	[sflag:s25] =	ssyncset.done $0x0  }
0x197: {  	[sflag:s25] =	ssyncadd.s32 $0xFFFFE000  }
0x198: {  	[spmem:s11] =	stream.linear.scatter [tilespmem:s20], [sflag:$0x1], $0x800, $0x38;
	[tilespmem:$0x1EF08] =	vst v63  }
0x199: {  	_ = 	snop  }
0x19a: {  	[spmem:s31] =	stream.linear.scatter [tilespmem:s20], [sflag:$0x1], $0x800, $0x38;
	[tilespmem:$0x1EF08] =	vst v63  }
0x19b: {  	_ = 	snop  }
0x19c: {  	[spmem:s0] =	stream.linear.scatter [tilespmem:s20], [sflag:$0x1], $0x800, $0x38;
	[tilespmem:$0x1EF08] =	vst v63  }
0x19d: {  	_ = 	snop  }
0x19e: {  	[spmem:s4] =	stream.linear.scatter [tilespmem:s20], [sflag:$0x1], $0x800, $0x38;
	[tilespmem:$0x1EF08] =	vst v63  }
0x19f: {  	_ = 	snop  }
0x1a0: {  	[spmem:s1] =	stream.linear.scatter [tilespmem:s20], [sflag:$0x1], $0x800, $0x38;
	[tilespmem:$0x1EF08] =	vst v63  }
0x1a1: {  	_ = 	snop  }
0x1a2: {  	[spmem:s2] =	stream.linear.scatter [tilespmem:s20], [sflag:$0x1], $0x800, $0x38;
	[tilespmem:$0x1EF08] =	vst v63  }
0x1a3: {  	_ = 	snop  }
0x1a4: {  	[spmem:s7] =	stream.linear.scatter [tilespmem:s20], [sflag:$0x1], $0x800, $0x38;
	[tilespmem:$0x1EF08] =	vst v63  }
0x1a5: {  	_ = 	snop  }
0x1a6: {  	[spmem:s8] =	stream.linear.scatter [tilespmem:s20], [sflag:$0x1], $0x800, $0x38;
	[tilespmem:$0x1EF08] =	vst v63  }
0x1a7: {  	_ = 	snop  }
0x1a8: {  	[spmem:s9] =	stream.linear.scatter [tilespmem:s20], [sflag:$0x1], $0x800, $0x38;
	[tilespmem:$0x1EF08] =	vst v63  }
0x1a9: {  	_ = 	snop  }
0x1aa: {  	[spmem:s10] =	stream.linear.scatter [tilespmem:s20], [sflag:$0x1], $0x800, $0x38;
	[tilespmem:$0x1EF08] =	vst v63  }
0x1ab: {  	_ = 	snop  }
0x1ac: {  	[spmem:s12] =	stream.linear.scatter [tilespmem:s20], [sflag:$0x1], $0x800, $0x38;
	[tilespmem:$0x1EF08] =	vst v63  }
0x1ad: {  	_ = 	snop  }
0x1ae: {  	[spmem:s13] =	stream.linear.scatter [tilespmem:s20], [sflag:$0x1], $0x800, $0x38;
	[tilespmem:$0x1EF08] =	vst v63  }
0x1af: {  	_ = 	snop  }
0x1b0: {  	[spmem:s14] =	stream.linear.scatter [tilespmem:s20], [sflag:$0x1], $0x800, $0x38;
	[tilespmem:$0x1EF08] =	vst v63  }
0x1b1: {  	_ = 	snop  }
0x1b2: {  	[spmem:s6] =	stream.linear.scatter [tilespmem:s20], [sflag:$0x1], $0x800, $0x38;
	[tilespmem:$0x1EF08] =	vst v63  }
0x1b3: {  	_ = 	snop  }
0x1b4: {  	[spmem:s15] =	stream.linear.scatter [tilespmem:s20], [sflag:$0x1], $0x800, $0x38;
	[tilespmem:$0x1EF08] =	vst v63  }
0x1b5: {  	_ = 	snop  }
0x1b6: {  	[spmem:s16] =	stream.linear.scatter [tilespmem:s20], [sflag:$0x1], $0x800, $0x38;
	[tilespmem:$0x1EF08] =	vst v63  }
0x1b7: {  	_ = 	snop  }
0x1b8: {  	[spmem:s17] =	stream.linear.scatter [tilespmem:s20], [sflag:$0x1], $0x800, $0x38;
	[tilespmem:$0x1EF08] =	vst v63  }
0x1b9: {  	_ = 	snop  }
0x1ba: {  	[spmem:s22] =	stream.linear.scatter [tilespmem:s20], [sflag:$0x1], $0x800, $0x38;
	[tilespmem:$0x1EF08] =	vst v63  }
0x1bb: {  	_ = 	snop  }
0x1bc: {  	[spmem:s23] =	stream.linear.scatter [tilespmem:s20], [sflag:$0x1], $0x800, $0x38;
	[tilespmem:$0x1EF08] =	vst v63  }
0x1bd: {  	s25 =	rddreg [dreg:$0x11]  }
0x1be: {  	[spmem:s25] =	stream.linear.scatter [tilespmem:s20], [sflag:$0x1], $0x800, $0x38;
	[tilespmem:$0x1EF08] =	vst v63  }
0x1bf: {  	s25 =	rddreg [dreg:$0x12]  }
0x1c0: {  	[spmem:s25] =	stream.linear.scatter [tilespmem:s20], [sflag:$0x1], $0x800, $0x38;
	[tilespmem:$0x1EF08] =	vst v63  }
0x1c1: {  	s25 =	rddreg [dreg:$0x13]  }
0x1c2: {  	[spmem:s25] =	stream.linear.scatter [tilespmem:s20], [sflag:$0x1], $0x800, $0x38;
	[tilespmem:$0x1EF08] =	vst v63  }
0x1c3: {  	s25 =	rddreg [dreg:$0x14]  }
0x1c4: {  	[spmem:s25] =	stream.linear.scatter [tilespmem:s20], [sflag:$0x1], $0x800, $0x38;
	[tilespmem:$0x1EF08] =	vst v63  }
0x1c5: {  	s25 =	rddreg [dreg:$0x15]  }
0x1c6: {  	[spmem:s25] =	stream.linear.scatter [tilespmem:s20], [sflag:$0x1], $0x800, $0x38;
	[tilespmem:$0x1EF08] =	vst v63  }
0x1c7: {  	s25 =	rddreg [dreg:$0x16]  }
0x1c8: {  	[spmem:s25] =	stream.linear.scatter [tilespmem:s20], [sflag:$0x1], $0x800, $0x38;
	[tilespmem:$0x1EF08] =	vst v63  }
0x1c9: {  	s25 =	rddreg [dreg:$0x17]  }
0x1ca: {  	[spmem:s25] =	stream.linear.scatter [tilespmem:s20], [sflag:$0x1], $0x800, $0x38;
	[tilespmem:$0x1EF08] =	vst v63  }
0x1cb: {  	s25 =	rddreg [dreg:$0x18]  }
0x1cc: {  	[spmem:s25] =	stream.linear.scatter [tilespmem:s20], [sflag:$0x1], $0x800, $0x38;
	[tilespmem:$0x1EF08] =	vst v63  }
0x1cd: {  	s25 =	rddreg [dreg:$0x19]  }
0x1ce: {  	[spmem:s25] =	stream.linear.scatter [tilespmem:s20], [sflag:$0x1], $0x800, $0x38;
	[tilespmem:$0x1EF08] =	vst v63  }
0x1cf: {  	s25 =	rddreg [dreg:$0x1a]  }
0x1d0: {  	[spmem:s25] =	stream.linear.scatter [tilespmem:s20], [sflag:$0x1], $0x800, $0x38;
	[tilespmem:$0x1EF08] =	vst v63  }
0x1d1: {  	s25 =	rddreg [dreg:$0x1b]  }
0x1d2: {  	[spmem:s25] =	stream.linear.scatter [tilespmem:s20], [sflag:$0x1], $0x800, $0x38;
	[tilespmem:$0x1EF08] =	vst v63  }
.Ltmp11:
0x1d3: {  	_ = 	snop;
	(pc) =	sbr.rel @p0 .LBB2_24-.Ltmp11, $4  }
0x1d4: {  	s25 =	rddreg [dreg:$0x1c]  }
0x1d5: {  	[spmem:s25] =	stream.linear.scatter [tilespmem:s20], [sflag:$0x1], $0x800, $0x38;
	[tilespmem:$0x1EF08] =	vst v63  }
0x1d6: {  	s29 =	simm.s32 $0x7680;
	s28 =	simm.s32 $0x0;
	s25 =	rddreg [dreg:$0x1d]  }
0x1d7: {  	[spmem:s25] =	stream.linear.scatter [tilespmem:s20], [sflag:$0x1], $0x800, $0x38;
	[tilespmem:$0x1EF08] =	vst v63  }
0x1d8: {  	p1 =	sne.s32 s24, $0x1  }
.Ltmp12:
0x1d9: {  	_ = 	snop;
	(pc) =	sbr.rel @!p1 .LBB2_18-.Ltmp12, $2  }
0x1da: {  	_ =	sdelay $0x2  }
0x1db: {  	v9 =	vld [tilespmem:s29+$0x0];
	s24 =	sadd.s32 $0xFFFFFFFF, s24;
	p0 =	por $0x0, $0x0  }
0x1dc: {  	_ =	sdelay $0x3  }
0x1dd: {  	vm1 =	vge.s32 v9, v2;
	vm2 =	vlt.s32 v9, v3  }
0x1de: {  	vm1 =	vmand vm1, vm2  }
0x1df: {  	v10 =	vsel vm1, $0x1, v6  }
0x1e0: {  	(xrf0) =	vadd.scan.msk.s32 $0xffff, v10  }
0x1e1: {  	[dreg:$0x1f] =	wrdreg s26;
	s26 =	smov.u32 s30  }
0x1e2: {  	s25 =	smov.u32 s23;
	s23 =	smov.u32 s11;
	s11 =	smov.u32 s22  }
0x1e3: {  	s22 =	smov.u32 s17;
	s17 =	smov.u32 s16;
	s16 =	smov.u32 s15  }
0x1e4: {  	s15 =	smov.u32 s6;
	s6 =	smov.u32 s14;
	p1 =	sne.s32 s24, $0x1  }
.Ltmp13:
0x1e5: {  	s14 =	smov.u32 s13;
	s13 =	smov.u32 s12;
	(pc) =	sbr.rel @!p1 .LBB2_20-.Ltmp13, $4  }
0x1e6: {  	s12 =	smov.u32 s10;
	s10 =	smov.u32 s9;
	s9 =	smov.u32 s8;
	v10, _, _ =	vpop (xrf0)  }
0x1e7: {  	s8 =	smov.u32 s7;
	s7 =	smov.u32 s1;
	s1 =	smov.u32 s4;
	v9 =	vsub.s32 v9, v2;
	(v2sf) =	vpush v10, $0xF  }
0x1e8: {  	s4 =	smov.u32 s0;
	s0 =	smov.u32 s31;
	s29 =	sadd.s32 $0x10, s29;
	[tilespmem:s28+$0x9E00] =	vst.msk vm1, v9  }
0x1e9: {  	s30 =	sadd.s32 $0xFFFFFFFF, s24;
	p0 =	por $0x1, $0x1;
	s24 =	simm.s32 $0x0;
	v9 =	vld [tilespmem:s29+$0x0]  }
.LBB2_21:
0x1ea: {  	p1 =	sne.s32 s30, $0x1;
	_ =	sdelay $0x3  }
0x1eb: {  	vm1 =	vge.s32 v9, v2;
	vm2 =	vlt.s32 v9, v3;
	v9 =	vsub.s32 v9, v2  }
0x1ec: {  	vm1 =	vmand vm1, vm2  }
0x1ed: {  	v10 =	vsel vm1, $0x1, v6  }
0x1ee: {  	(xrf0) =	vadd.scan.msk.s32 $0xffff, v10;
	_ =	sdelay $0x4  }
.Ltmp14:
0x1ef: {  	s31 =	spop (v2sf);
	(pc) =	sbr.rel @p1 .LBB2_21-.Ltmp14, $4  }
0x1f0: {  	v10, _, _ =	vpop (xrf0);
	s24 =	sadd.s32 s24, s31  }
0x1f1: {  	[tilespmem:s24+$0x9E00] =	vst.msk vm1, v9;
	(v2sf) =	vpush v10, $0xF  }
0x1f2: {  	s29 =	sadd.s32 $0x10, s29  }
0x1f3: {  	s30 =	sadd.s32 $0xFFFFFFFF, s30;
	v9 =	vld [tilespmem:s29+$0x0]  }
0x1f4: {  	s31 =	smov.u32 s0;
	s0 =	smov.u32 s4  }
0x1f5: {  	s4 =	smov.u32 s1;
	s1 =	smov.u32 s7;
	s7 =	smov.u32 s8  }
0x1f6: {  	s8 =	smov.u32 s9;
	s9 =	smov.u32 s10;
	s10 =	smov.u32 s12  }
0x1f7: {  	s12 =	smov.u32 s13;
	s13 =	smov.u32 s14;
	s14 =	smov.u32 s6  }
0x1f8: {  	s6 =	smov.u32 s15;
	s15 =	smov.u32 s16;
	s16 =	smov.u32 s17  }
0x1f9: {  	s17 =	smov.u32 s22;
	s22 =	smov.u32 s11;
	s11 =	smov.u32 s23  }
0x1fa: {  	s23 =	smov.u32 s25;
	s30 =	smov.u32 s26;
	s26 =	rddreg [dreg:$0x1f]  }
.LBB2_23:
0x1fb: {  	vm1 =	vge.s32 v9, v2;
	vm2 =	vlt.s32 v9, v3  }
0x1fc: {  	vm1 =	vmand vm1, vm2  }
0x1fd: {  	v10 =	vsel vm1, $0x1, v6  }
0x1fe: {  	(xrf0) =	vadd.scan.msk.s32 $0xffff, v10;
	_ =	sdelay $0x5  }
0x1ff: {  	v10, _, _ =	vpop (xrf0)  }
0x200: {  	(v2sf) =	vpush v10, $0xF;
	_ =	sdelay $0xc  }
0x201: {  	s29 =	spop @p0 (v2sf)  }
0x202: {  	s24 =	sadd.s32 @p0 s24, s29  }
0x203: {  	v9 =	vsub.s32 v9, v2;
	s28 =	smov.u32 @p0 s24;
	s29 =	spop (v2sf)  }
0x204: {  	[tilespmem:s28+$0x9E00] =	vst.msk vm1, v9;
	s28 =	sadd.s32 s28, s29  }
.LBB2_24:
0x205: {  	[tilespmem:s28+$0x9E00] =	vst v8  }
0x206: {  	[tilespmem:s28+$0x9E10] =	vst v8  }
0x207: {  	[tilespmem:s28+$0x9E20] =	vst v8  }
0x208: {  	[tilespmem:s28+$0x9E30] =	vst v8  }
0x209: {  	[tilespmem:s28+$0x9E40] =	vst v8  }
0x20a: {  	[tilespmem:s28+$0x9E50] =	vst v8  }
0x20b: {  	[tilespmem:s28+$0x9E60] =	vst v8  }
0x20c: {  	[tilespmem:s28+$0x9E70] =	vst v8  }
0x20d: {  	[tilespmem:s28+$0x9E80] =	vst v8  }
0x20e: {  	_ =	swait.ge [sflag:s19], $0x800  }
0x20f: {  	[sflag:s19] =	ssyncset.done $0x0  }
0x210: {  	[sflag:s19] =	ssyncadd.s32 $0xFFFFF800  }
0x211: {  	_ =	swait.ge [sflag:s19], $0x800  }
0x212: {  	[sflag:s19] =	ssyncset.done $0x0  }
0x213: {  	[sflag:s19] =	ssyncadd.s32 $0xFFFFF800  }
0x214: {  	_ =	swait.ge [sflag:s19], $0x800  }
0x215: {  	[sflag:s19] =	ssyncset.done $0x0  }
0x216: {  	[sflag:s19] =	ssyncadd.s32 $0xFFFFF800  }
0x217: {  	_ =	swait.ge [sflag:s19], $0x800  }
0x218: {  	[sflag:s19] =	ssyncset.done $0x0  }
0x219: {  	[sflag:s19] =	ssyncadd.s32 $0xFFFFF800  }
0x21a: {  	_ =	swait.ge [sflag:s19], $0x800  }
0x21b: {  	[sflag:s19] =	ssyncset.done $0x0  }
0x21c: {  	[sflag:s19] =	ssyncadd.s32 $0xFFFFF800  }
0x21d: {  	_ =	swait.ge [sflag:s19], $0x800  }
0x21e: {  	[sflag:s19] =	ssyncset.done $0x0  }
0x21f: {  	[sflag:s19] =	ssyncadd.s32 $0xFFFFF800  }
0x220: {  	_ =	swait.ge [sflag:s19], $0x800  }
0x221: {  	[sflag:s19] =	ssyncset.done $0x0  }
0x222: {  	[sflag:s19] =	ssyncadd.s32 $0xFFFFF800  }
0x223: {  	_ =	swait.ge [sflag:s19], $0x800  }
0x224: {  	[sflag:s19] =	ssyncset.done $0x0  }
0x225: {  	[sflag:s19] =	ssyncadd.s32 $0xFFFFF800  }
0x226: {  	_ =	swait.ge [sflag:s19], $0x800  }
0x227: {  	[sflag:s19] =	ssyncset.done $0x0  }
0x228: {  	[sflag:s19] =	ssyncadd.s32 $0xFFFFF800  }
0x229: {  	_ =	swait.ge [sflag:s19], $0x800  }
0x22a: {  	[sflag:s19] =	ssyncset.done $0x0  }
0x22b: {  	[sflag:s19] =	ssyncadd.s32 $0xFFFFF800  }
0x22c: {  	_ =	swait.ge [sflag:s19], $0x800  }
0x22d: {  	[sflag:s19] =	ssyncset.done $0x0  }
0x22e: {  	[sflag:s19] =	ssyncadd.s32 $0xFFFFF800  }
0x22f: {  	_ =	swait.ge [sflag:s19], $0x800  }
0x230: {  	[sflag:s19] =	ssyncset.done $0x0  }
0x231: {  	[sflag:s19] =	ssyncadd.s32 $0xFFFFF800  }
0x232: {  	_ =	swait.ge [sflag:s19], $0x800  }
0x233: {  	[sflag:s19] =	ssyncset.done $0x0  }
0x234: {  	[sflag:s19] =	ssyncadd.s32 $0xFFFFF800  }
0x235: {  	_ =	swait.ge [sflag:s19], $0x800  }
0x236: {  	[sflag:s19] =	ssyncset.done $0x0  }
0x237: {  	[sflag:s19] =	ssyncadd.s32 $0xFFFFF800  }
0x238: {  	_ =	swait.ge [sflag:s19], $0x800  }
0x239: {  	[sflag:s19] =	ssyncset.done $0x0  }
0x23a: {  	[sflag:s19] =	ssyncadd.s32 $0xFFFFF800  }
0x23b: {  	_ =	swait.ge [sflag:s19], $0x800  }
0x23c: {  	[sflag:s19] =	ssyncset.done $0x0  }
0x23d: {  	[sflag:s19] =	ssyncadd.s32 $0xFFFFF800  }
0x23e: {  	_ =	swait.ge [sflag:s19], $0x800  }
0x23f: {  	[sflag:s19] =	ssyncset.done $0x0  }
0x240: {  	[sflag:s19] =	ssyncadd.s32 $0xFFFFF800  }
0x241: {  	_ =	swait.ge [sflag:s19], $0x800  }
0x242: {  	[sflag:s19] =	ssyncset.done $0x0  }
0x243: {  	[sflag:s19] =	ssyncadd.s32 $0xFFFFF800  }
0x244: {  	_ =	swait.ge [sflag:s19], $0x800  }
0x245: {  	[sflag:s19] =	ssyncset.done $0x0  }
0x246: {  	[sflag:s19] =	ssyncadd.s32 $0xFFFFF800  }
0x247: {  	_ =	swait.ge [sflag:s19], $0x800  }
0x248: {  	[sflag:s19] =	ssyncset.done $0x0  }
0x249: {  	[sflag:s19] =	ssyncadd.s32 $0xFFFFF800  }
0x24a: {  	_ =	swait.ge [sflag:s19], $0x800  }
0x24b: {  	[sflag:s19] =	ssyncset.done $0x0  }
0x24c: {  	[sflag:s19] =	ssyncadd.s32 $0xFFFFF800  }
0x24d: {  	_ =	swait.ge [sflag:s19], $0x800  }
0x24e: {  	[sflag:s19] =	ssyncset.done $0x0  }
0x24f: {  	[sflag:s19] =	ssyncadd.s32 $0xFFFFF800  }
0x250: {  	_ =	swait.ge [sflag:s19], $0x800  }
0x251: {  	[sflag:s19] =	ssyncset.done $0x0  }
0x252: {  	[sflag:s19] =	ssyncadd.s32 $0xFFFFF800  }
0x253: {  	_ =	swait.ge [sflag:s19], $0x800  }
0x254: {  	[sflag:s19] =	ssyncset.done $0x0  }
0x255: {  	[sflag:s19] =	ssyncadd.s32 $0xFFFFF800  }
0x256: {  	_ =	swait.ge [sflag:s19], $0x800  }
0x257: {  	[sflag:s19] =	ssyncset.done $0x0  }
0x258: {  	[sflag:s19] =	ssyncadd.s32 $0xFFFFF800  }
0x259: {  	_ =	swait.ge [sflag:s19], $0x800  }
0x25a: {  	[sflag:s19] =	ssyncset.done $0x0  }
0x25b: {  	[sflag:s19] =	ssyncadd.s32 $0xFFFFF800  }
0x25c: {  	_ =	swait.ge [sflag:s19], $0x800  }
0x25d: {  	[sflag:s19] =	ssyncset.done $0x0  }
0x25e: {  	[sflag:s19] =	ssyncadd.s32 $0xFFFFF800  }
0x25f: {  	_ =	swait.ge [sflag:s19], $0x800  }
0x260: {  	[sflag:s19] =	ssyncset.done $0x0  }
0x261: {  	s24 =	sadd.s32 $0xF, s28;
	[sflag:s19] =	ssyncadd.s32 $0xFFFFF800  }
0x262: {  	s28 =	sand.u32 $0xF, s24;
	_ =	swait.ge [sflag:s19], $0x800  }
0x263: {  	p0 =	sne.s32 s28, $0x0;
	s28 =	sshra.s32 s24, $0x1F;
	[sflag:s19] =	ssyncset.done $0x0  }
0x264: {  	p1 =	slt.s32 s24, $0x1;
	s28 =	sshrl.u32 s28, $0x1C;
	[sflag:s19] =	ssyncadd.s32 $0xFFFFF800  }
0x265: {  	p0 =	por !p1, !p0;
	s24 =	sadd.s32 s28, s24;
	_ =	swait.ge [sflag:s19], $0x800  }
0x266: {  	p0 =	por !p0, !p0;
	s28 =	simm.s32 $0x1;
	[sflag:s19] =	ssyncset.done $0x0  }
0x267: {  	s24 =	sshra.s32 s24, $0x4;
	s28 =	simm.s32 @!p0 $0x0;
	[sflag:s19] =	ssyncadd.s32 $0xFFFFF800  }
0x268: {  	s24 =	ssub.s32 s24, s28;
	_ =	swait.ge [sflag:s19], $0x800  }
0x269: {  	s28 =	sadd.s32 $0x8, s24;
	[sflag:s19] =	ssyncset.done $0x0  }
0x26a: {  	p0 =	slt.s32 s28, $0x1;
	[sflag:s19] =	ssyncadd.s32 $0xFFFFF800  }
.Ltmp15:
0x26b: {  	_ =	swait.ge [sflag:s19], $0x800;
	(pc) =	sbr.rel @p0 .LBB2_28-.Ltmp15, $4  }
0x26c: {  	[sflag:s19] =	ssyncset.done $0x0  }
0x26d: {  	[sflag:s19] =	ssyncadd.s32 $0xFFFFF800  }
0x26e: {  	[bflag:$0x0] =	sbarrier.arrive $0xFFFF  }
0x26f: {  	s24 =	simm.s32 $0x9E00;
	s29 =	rddreg [dreg:$0x1e]  }
0x270: {  	p0 =	sne.s32 s28, $0x1  }
.Ltmp16:
0x271: {  	_ = 	snop;
	(pc) =	sbr.rel @!p0 .LBB2_27-.Ltmp16, $2  }
0x272: {  	v9 =	vld [tilespmem:s24+$0x0];
	_ =	sdelay $0x2  }
0x273: {  	s28 =	sadd.s32 $0xFFFFFFFF, s28  }
.LBB2_26:
0x274: {  	p0 =	sne.s32 s28, $0x1;
	_ =	sdelay $0x5  }
0x275: {  	[spmem:s3] =	stream.indirect_vreg.scatter.add.f32 [tilespmem:s21], [sflag:$0x3], $0x1, v9, vm0, $0xb8;
	[tilespmem:$0x1EF08] =	vst v63  }
.Ltmp17:
0x276: {  	_ =	swait.ge [sflag:s18], $0x10;
	(pc) =	sbr.rel @p0 .LBB2_26-.Ltmp17, $4  }
0x277: {  	[sflag:s18] =	ssyncset.done $0x0  }
0x278: {  	s24 =	sadd.s32 $0x10, s24;
	[sflag:s18] =	ssyncadd.s32 $0xFFFFFFF0  }
0x279: {  	v9 =	vld [tilespmem:s24+$0x0]  }
0x27a: {  	s28 =	sadd.s32 $0xFFFFFFFF, s28  }
.Ltmp18:
0x27b: {  	_ = 	snop;
	(pc) =	sbr.rel .LBB2_27-.Ltmp18, $1  }
0x27c: {  	_ =	sdelay $0x3  }
.LBB2_7:
.Ltmp19:
0x27d: {  	(pc) =	sbr.rel .LBB2_11-.Ltmp19, $2  }
0x27e: {  	_ =	sdelay $0x2  }
0x27f: {  	s26 =	simm.s32 $0x0  }
.LBB2_18:
.Ltmp20:
0x280: {  	(pc) =	sbr.rel .LBB2_23-.Ltmp20, $2  }
0x281: {  	_ =	sdelay $0x2  }
0x282: {  	s24 =	simm.s32 $0x0  }
.LBB2_9:
.Ltmp21:
0x283: {  	(pc) =	sbr.rel .LBB2_11-.Ltmp21, $2  }
0x284: {  	_ =	sdelay $0x2  }
0x285: {  	s26 =	simm.s32 $0x0  }
.LBB2_20:
0x286: {  	s24 =	simm.s32 $0x0  }
0x287: {  	s31 =	smov.u32 s0;
	s0 =	smov.u32 s4;
	s4 =	smov.u32 s1  }
0x288: {  	s1 =	smov.u32 s7;
	s7 =	smov.u32 s8;
	s8 =	smov.u32 s9  }
.Ltmp22:
0x289: {  	s9 =	smov.u32 s10;
	s10 =	smov.u32 s12;
	(pc) =	sbr.rel .LBB2_23-.Ltmp22, $4  }
0x28a: {  	s12 =	smov.u32 s13;
	s13 =	smov.u32 s14;
	s14 =	smov.u32 s6  }
0x28b: {  	s6 =	smov.u32 s15;
	s15 =	smov.u32 s16;
	s16 =	smov.u32 s17  }
0x28c: {  	s17 =	smov.u32 s22;
	s22 =	smov.u32 s11;
	s11 =	smov.u32 s23  }
0x28d: {  	s23 =	smov.u32 s25;
	s30 =	smov.u32 s26;
	s26 =	rddreg [dreg:$0x1f]  }
.LBB2_29:
0x28e: {  	_ =	sfence.sel $0x180000  }
0x28f: {  	[bflag:$0x0] =	sbarrier.arrive $0xFFFF  }
0x290: {  	_ =	strace $0x90000047  }
0x291: {  	s0 =	stileid.u32;
	[bflag:$0x2] =	sbarrier.arrive $0xFFFF  }
0x292: {  	p0 =	sne.s32 s0, $0x0;
	s0 =	rddreg [dreg:$0x8]  }
0x293: {  	s0 =	sadd.s32 @!p0 $0x100000, s0  }
0x294: {  	[sflag:s0] =	ssyncadd.tile.s32 @!p0 $0x1;
	_ =	shalt  }
.Lfunc_end2:
_tile_overlayer_lowered:
.L_overlay_start_2:
0x295: {  	(tag) =	ssettag $0x2  }
0x296: {  	s0 =	rddreg [dreg:$0x0];
	s2 =	stileid.u32  }
0x297: {  	s1 =	rddreg [dreg:$0x1];
	p0 =	sne.s32 s2, $0x0  }
0x298: {  	s3 =	rddreg [dreg:$0x2];
	[bflag:$0x3] =	sbarrier.arrive $0xFFFF;
	s2 =	simm.s32 @!p0 $0x1C03  }
0x299: {  	[timem:s3], [sflag:s2] =	dma.local @!p0 [hbm:s0], s1  }
0x29a: {  	s0 =	simm.s32 @!p0 $0x3  }
0x29b: {  	_ =	swait.ge @!p0 [sflag:s0], s1  }
0x29c: {  	s1 =	ssub.s32 @!p0 $0x0, s1;
	[sflag:s0] =	ssyncset.done @!p0 $0x0  }
0x29d: {  	[sflag:s0] =	ssyncadd.s32 @!p0 s1  }
0x29e: {  	[bflag:$0x3] =	sbarrier.arrive $0xFFFF  }
0x29f: {  	_ =	shalt  }

</sc_bundles>
